<compile_context>
chip_gen: v7x
topology: tpu7x:2x2x1
jax: 0.10.2.dev20260603
libtpu: 0.0.44.dev20260713+nightly
codegen_flags: <defaults>
</compile_context>

<pallas_src>
import functools

import jax
import jax.numpy as jnp
from jax import lax
from jax.experimental import pallas as pl
from jax.experimental.pallas import tpu as pltpu
from jax.experimental.pallas import tpu_sc as plsc

N_CODES = 8192
DIM = 256
BETA = 0.25
ROW_TILE = 512

_NC, _NS = 2, 16
_NW = _NC * _NS


COL_CHUNK = 1024


def _dist_argmax_body(zn_ref, z2_ref, wt_ref, wn_ref, idx_ref):
    zneg = -zn_ref[...]
    z2 = z2_ref[...] * 2.0
    run_m = jnp.full((ROW_TILE, 1), -jnp.inf, jnp.float32)
    run_i = jnp.zeros((ROW_TILE, 1), jnp.float32)
    col = lax.broadcasted_iota(
        jnp.int32, (ROW_TILE, COL_CHUNK), 1).astype(jnp.float32)
    for c in range(N_CODES // COL_CHUNK):
        sl = pl.ds(c * COL_CHUNK, COL_CHUNK)
        mm2 = lax.dot_general(z2, wt_ref[sl, :], (((1,), (1,)), ((), ())),
                              preferred_element_type=jnp.float32)
        d = (zneg - wn_ref[:, pl.ds(c * COL_CHUNK, COL_CHUNK)]) + mm2
        mc = jnp.max(d, axis=1, keepdims=True)
        bc = (jnp.max(jnp.where(d == mc, col, -1.0), axis=1, keepdims=True)
              + float(c * COL_CHUNK))
        upd = mc >= run_m
        run_i = jnp.where(upd, bc, run_i)
        run_m = jnp.where(upd, mc, run_m)
    idx_ref[...] = run_i[:, 0].astype(jnp.int32).reshape(1, 1, ROW_TILE)


def _dist_argmax(zn, z_flat, w, wnorm):
    rows = z_flat.shape[0]
    nt = rows // ROW_TILE
    out = pl.pallas_call(
        _dist_argmax_body,
        grid=(nt,),
        in_specs=[
            pl.BlockSpec((ROW_TILE, 1), lambda i: (i, 0)),
            pl.BlockSpec((ROW_TILE, DIM), lambda i: (i, 0)),
            pl.BlockSpec((N_CODES, DIM), lambda i: (0, 0)),
            pl.BlockSpec((1, N_CODES), lambda i: (0, 0)),
        ],
        out_specs=pl.BlockSpec((1, 1, ROW_TILE), lambda i: (i, 0, 0)),
        out_shape=jax.ShapeDtypeStruct((nt, 1, ROW_TILE), jnp.int32),
    )(zn, z_flat, w, wnorm)
    return out.reshape(rows)


def _sc_gather_bincount(idx, weight, rows):
    rpw = rows // _NW
    half = rpw // 2
    mesh = plsc.VectorSubcoreMesh(core_axis_name="c", subcore_axis_name="s")

    @functools.partial(
        pl.kernel,
        mesh=mesh,
        out_type=[jax.ShapeDtypeStruct((rows, DIM), jnp.float32),
                  jax.ShapeDtypeStruct((_NC, N_CODES), jnp.float32)],
        scratch_types=[
            pltpu.VMEM((2, half), jnp.int32),
            pltpu.VMEM((rpw, DIM), jnp.float32),
            pltpu.VMEM((80,), jnp.float32),
            pltpu.VMEM((N_CODES // _NS,), jnp.float32),
            pltpu.VMEM_SHARED((N_CODES,), jnp.float32),
            pltpu.SemaphoreType.DMA,
            pltpu.SemaphoreType.DMA,
        ],
    )
    def body(idx_hbm, w_hbm, zq_hbm, cnt_hbm, idx_v, rows_v, ones_v, zero_v,
             cnt_sh, sem, wsem):
        c = lax.axis_index("c")
        s = lax.axis_index("s")
        wid = c * _NS + s
        base = wid * rpw

        pltpu.sync_copy(idx_hbm.at[pl.ds(base, half)], idx_v.at[0])
        pltpu.sync_copy(idx_hbm.at[pl.ds(base + half, half)], idx_v.at[1])
        cp0 = pltpu.async_copy(w_hbm.at[idx_v.at[0]],
                               rows_v.at[pl.ds(0, half)], sem)
        cp1 = pltpu.async_copy(w_hbm.at[idx_v.at[1]],
                               rows_v.at[pl.ds(half, half)], sem)

        def _fill_ones(i, carry):
            ones_v[pl.ds(i * 16, 16)] = jnp.ones((16,), jnp.float32)
            return carry
        lax.fori_loop(0, 5, _fill_ones, 0)

        def _fill_zero(i, carry):
            zero_v[pl.ds(i * 16, 16)] = jnp.zeros((16,), jnp.float32)
            return carry
        lax.fori_loop(0, N_CODES // _NS // 16, _fill_zero, 0)
        pltpu.sync_copy(zero_v, cnt_sh.at[pl.ds(s * (N_CODES // _NS),
                                                N_CODES // _NS)])

        plsc.subcore_barrier()
        pltpu.sync_copy(ones_v.at[pl.ds(0, half)],
                        cnt_sh.at[idx_v.at[0]], add=True)
        pltpu.sync_copy(ones_v.at[pl.ds(0, half)],
                        cnt_sh.at[idx_v.at[1]], add=True)
        plsc.subcore_barrier()

        @pl.when(s == 0)
        def _():
            pltpu.sync_copy(cnt_sh, cnt_hbm.at[c])

        cp0.wait()
        wr0 = pltpu.async_copy(rows_v.at[pl.ds(0, half)],
                               zq_hbm.at[pl.ds(base, half)], wsem)
        cp1.wait()
        pltpu.sync_copy(rows_v.at[pl.ds(half, half)],
                        zq_hbm.at[pl.ds(base + half, half)])
        wr0.wait()

    return body(idx, weight)


def _finalize_body(zq_ref, z_ref, cnt_ref, loss_ref, perp_ref):
    d = zq_ref[...] - z_ref[...]
    m = jnp.sum(d * d) * (1.0 / (zq_ref.shape[0] * zq_ref.shape[1]))
    loss_ref[...] = jnp.reshape(BETA * m + m, (1, 1))
    p = jnp.sum(cnt_ref[...], axis=0, keepdims=True) * (1.0 / zq_ref.shape[0])
    ent = jnp.sum(p * jnp.log(p + 1e-10))
    perp_ref[...] = jnp.reshape(jnp.exp(-ent), (1, 1))


def _finalize(zq_flat, z_flat, cnt):
    return pl.pallas_call(
        _finalize_body,
        out_shape=[jax.ShapeDtypeStruct((1, 1), jnp.float32),
                   jax.ShapeDtypeStruct((1, 1), jnp.float32)],
    )(zq_flat, z_flat, cnt)


def kernel(z, weight):
    b, cdim, h, w = z.shape
    zp = jnp.transpose(z, (0, 2, 3, 1))
    z_flat = zp.reshape(-1, cdim)
    rows = z_flat.shape[0]
    zn = jnp.sum(z_flat ** 2, axis=1, keepdims=True)
    wnorm = jnp.sum(weight ** 2, axis=1)[None, :]
    idx = _dist_argmax(zn, z_flat, weight, wnorm)
    zq_flat, cnt = _sc_gather_bincount(idx, weight, rows)
    loss, perp = _finalize(zq_flat, z_flat, cnt)
    zq_out = jnp.transpose(zq_flat.reshape(zp.shape), (0, 3, 1, 2))
    return zq_out, loss.reshape(()), perp.reshape(()), idx

# --- scband reference (transcript-rebuilt; emitter-appended) ---
"""Pipeline reference for scband-cvector-quantiser-88811333747151 (READ-ONLY COPY).

The authoritative reference and input builder live on the scoring server;
editing this copy changes nothing except your own understanding.
"""

import jax, jax.numpy as jnp
import numpy as np

N_EMBED = 8192
EMBED_DIM = 256
BETA = 0.25


def setup_inputs(seed: int = 0) -> dict:
    key = jax.random.key(seed)
    k1, k2 = jax.random.split(key)
    z = jax.random.normal(k1, (8, 256, 24, 24), dtype=jnp.float32)
    w = jax.random.normal(k2, (N_EMBED, EMBED_DIM), dtype=jnp.float32)
    w = w / jnp.sqrt(jnp.sum(w * w, axis=-1, keepdims=True) + 1e-12)  # l2norm init (kmeans_init=False path)
    return {"z": z, "weight": w}


def reference(z, weight):
    b, c, h, w = z.shape
    # b c h w -> b h w c, flatten
    zp = jnp.transpose(z, (0, 2, 3, 1))
    z_flat = zp.reshape(-1, c)
    zf = jax.lax.stop_gradient(z_flat)
    # l2 distance: -(z^2) - (e^2) + 2 z.e  (larger = closer)
    d = (-jnp.sum(zf ** 2, axis=1, keepdims=True)
         - jnp.sum(weight ** 2, axis=1)[None, :]
         + 2.0 * (zf @ weight.T))
    # sort distances, closest code is last index
    indices = jnp.argsort(d, axis=1)
    encoding_indices = indices[:, -1]
    encodings = jax.nn.one_hot(encoding_indices, N_EMBED, dtype=z.dtype)
    # quantise via one-hot matmul and unflatten
    z_q = (encodings @ weight).reshape(zp.shape)
    # commitment + codebook loss
    loss = (BETA * jnp.mean((jax.lax.stop_gradient(z_q) - zp) ** 2)
            + jnp.mean((z_q - jax.lax.stop_gradient(zp)) ** 2))
    # straight-through estimator
    z_q_st = zp + jax.lax.stop_gradient(z_q - zp)
    z_q_out = jnp.transpose(z_q_st, (0, 3, 1, 2))
    # perplexity
    avg_probs = jnp.mean(encodings, axis=0)
    perplexity = jnp.exp(-jnp.sum(avg_probs * jnp.log(avg_probs + 1e-10)))
    return z_q_out, loss, perplexity, encoding_indices

if __name__ == "__main__":
    import jax
    _d = setup_inputs()
    print(jax.jit(kernel)(*tuple(_d.values())))

</pallas_src>

<mosaic_0001>
#map = affine_map<(d0, d1) -> (0)>
#map1 = affine_map<(d0, d1) -> (0, 0)>
module attributes {stable_mosaic.version = 14 : i64} {
  func.func @body(%arg0: i32, %arg1: i32, %arg2: memref<4608xi32, #tpu.memory_space<hbm>>, %arg3: memref<8192x256xf32, #tpu.memory_space<hbm>>, %arg4: memref<4608x256xf32, #tpu.memory_space<hbm>>, %arg5: memref<2x8192xf32, #tpu.memory_space<hbm>>, %arg6: memref<2x72xi32, #tpu.memory_space<vmem>>, %arg7: memref<144x256xf32, #tpu.memory_space<vmem>>, %arg8: memref<80xf32, #tpu.memory_space<vmem>>, %arg9: memref<512xf32, #tpu.memory_space<vmem>>, %arg10: memref<8192xf32, #tpu.memory_space<vmem_shared>>, %arg11: memref<!tpu.dma_semaphore, #tpu.memory_space<semaphore_mem>>, %arg12: memref<!tpu.dma_semaphore, #tpu.memory_space<semaphore_mem>>) attributes {dimension_semantics = [#tpu.dimension_semantics<core_parallel>, #tpu.dimension_semantics<subcore_parallel>], iteration_bounds = array<i64: 2, 16>, scalar_prefetch = 0 : i64, scratch_operands = 7 : i64, tpu.core_type = #tpu.core_type<sc_vector_subcore>, window_params = [{transform_indices = #map}, {transform_indices = #map1}, {transform_indices = #map1}, {transform_indices = #map1}]} {
    %mul3A = arith.constant 16 : i32
    %mul3A_0 = arith.muli %arg0, %mul3A : i32
    %add3A = arith.addi %mul3A_0, %arg1 : i32
    %mul3A_1 = arith.constant 144 : i32
    %mul3A_2 = arith.muli %add3A, %mul3A_1 : i32
    %run_scoped3A = arith.constant 0 : i32
    "tpu.region"() ({
      %run_scoped3A_84 = tpu.sem_alloc : memref<!tpu.dma_semaphore, #tpu.memory_space<semaphore_mem>>
      %dma_start3A_85 = arith.constant 0 : i32
      %dma_start3A_86 = tpu.memref_slice %arg6[%run_scoped3A, %dma_start3A_85] : memref<2x72xi32, #tpu.memory_space<vmem>> -> memref<1x72xi32, #tpu.memory_space<vmem>>
      %dma_start3A_87 = tpu.memref_squeeze %dma_start3A_86 : memref<1x72xi32, #tpu.memory_space<vmem>> -> memref<72xi32, #tpu.memory_space<vmem>>
      %dma_start3A_88 = tpu.memref_slice %arg2[%mul3A_2] : memref<4608xi32, #tpu.memory_space<hbm>> -> memref<72xi32, #tpu.memory_space<hbm>>
      %dma_start3A_89 = arith.constant 0 : i32
      %dma_start3A_90 = tpu.memref_slice %arg6[%run_scoped3A, %dma_start3A_89] : memref<2x72xi32, #tpu.memory_space<vmem>> -> memref<1x72xi32, #tpu.memory_space<vmem>>
      %dma_start3A_91 = tpu.memref_squeeze %dma_start3A_90 : memref<1x72xi32, #tpu.memory_space<vmem>> -> memref<72xi32, #tpu.memory_space<vmem>>
      %dma_start3A_92 = tpu.memref_slice %arg2[%mul3A_2] : memref<4608xi32, #tpu.memory_space<hbm>> -> memref<72xi32, #tpu.memory_space<hbm>>
      tpu.enqueue_dma source(%dma_start3A_92 : memref<72xi32, #tpu.memory_space<hbm>>) target(%dma_start3A_91 : memref<72xi32, #tpu.memory_space<vmem>>) target_semaphore(%run_scoped3A_84 : memref<!tpu.dma_semaphore, #tpu.memory_space<semaphore_mem>>)
      %dma_wait3A_93 = arith.constant 0 : i32
      %dma_wait3A_94 = tpu.memref_slice %arg6[%run_scoped3A, %dma_wait3A_93] : memref<2x72xi32, #tpu.memory_space<vmem>> -> memref<1x72xi32, #tpu.memory_space<vmem>>
      %dma_wait3A_95 = tpu.memref_squeeze %dma_wait3A_94 : memref<1x72xi32, #tpu.memory_space<vmem>> -> memref<72xi32, #tpu.memory_space<vmem>>
      %dma_wait3A_96 = tpu.memref_slice %arg2[%mul3A_2] : memref<4608xi32, #tpu.memory_space<hbm>> -> memref<72xi32, #tpu.memory_space<hbm>>
      %dma_wait3A_97 = arith.constant 0 : i32
      %dma_wait3A_98 = tpu.memref_slice %arg6[%run_scoped3A, %dma_wait3A_97] : memref<2x72xi32, #tpu.memory_space<vmem>> -> memref<1x72xi32, #tpu.memory_space<vmem>>
      %dma_wait3A_99 = tpu.memref_squeeze %dma_wait3A_98 : memref<1x72xi32, #tpu.memory_space<vmem>> -> memref<72xi32, #tpu.memory_space<vmem>>
      %dma_wait3A_100 = tpu.memref_slice %arg2[%mul3A_2] : memref<4608xi32, #tpu.memory_space<hbm>> -> memref<72xi32, #tpu.memory_space<hbm>>
      tpu.wait_dma2 semaphore(%run_scoped3A_84 : memref<!tpu.dma_semaphore, #tpu.memory_space<semaphore_mem>>) src(%dma_wait3A_100 : memref<72xi32, #tpu.memory_space<hbm>>) dst(%dma_wait3A_99 : memref<72xi32, #tpu.memory_space<vmem>>)
      tpu.yield
    }) : () -> ()
    %add3A_3 = arith.constant 72 : i32
    %add3A_4 = arith.addi %mul3A_2, %add3A_3 : i32
    %run_scoped3A_5 = arith.constant 1 : i32
    "tpu.region"() ({
      %run_scoped3A_84 = tpu.sem_alloc : memref<!tpu.dma_semaphore, #tpu.memory_space<semaphore_mem>>
      %dma_start3A_85 = arith.constant 0 : i32
      %dma_start3A_86 = tpu.memref_slice %arg6[%run_scoped3A_5, %dma_start3A_85] : memref<2x72xi32, #tpu.memory_space<vmem>> -> memref<1x72xi32, #tpu.memory_space<vmem>>
      %dma_start3A_87 = tpu.memref_squeeze %dma_start3A_86 : memref<1x72xi32, #tpu.memory_space<vmem>> -> memref<72xi32, #tpu.memory_space<vmem>>
      %dma_start3A_88 = tpu.memref_slice %arg2[%add3A_4] : memref<4608xi32, #tpu.memory_space<hbm>> -> memref<72xi32, #tpu.memory_space<hbm>>
      %dma_start3A_89 = arith.constant 0 : i32
      %dma_start3A_90 = tpu.memref_slice %arg6[%run_scoped3A_5, %dma_start3A_89] : memref<2x72xi32, #tpu.memory_space<vmem>> -> memref<1x72xi32, #tpu.memory_space<vmem>>
      %dma_start3A_91 = tpu.memref_squeeze %dma_start3A_90 : memref<1x72xi32, #tpu.memory_space<vmem>> -> memref<72xi32, #tpu.memory_space<vmem>>
      %dma_start3A_92 = tpu.memref_slice %arg2[%add3A_4] : memref<4608xi32, #tpu.memory_space<hbm>> -> memref<72xi32, #tpu.memory_space<hbm>>
      tpu.enqueue_dma source(%dma_start3A_92 : memref<72xi32, #tpu.memory_space<hbm>>) target(%dma_start3A_91 : memref<72xi32, #tpu.memory_space<vmem>>) target_semaphore(%run_scoped3A_84 : memref<!tpu.dma_semaphore, #tpu.memory_space<semaphore_mem>>)
      %dma_wait3A_93 = arith.constant 0 : i32
      %dma_wait3A_94 = tpu.memref_slice %arg6[%run_scoped3A_5, %dma_wait3A_93] : memref<2x72xi32, #tpu.memory_space<vmem>> -> memref<1x72xi32, #tpu.memory_space<vmem>>
      %dma_wait3A_95 = tpu.memref_squeeze %dma_wait3A_94 : memref<1x72xi32, #tpu.memory_space<vmem>> -> memref<72xi32, #tpu.memory_space<vmem>>
      %dma_wait3A_96 = tpu.memref_slice %arg2[%add3A_4] : memref<4608xi32, #tpu.memory_space<hbm>> -> memref<72xi32, #tpu.memory_space<hbm>>
      %dma_wait3A_97 = arith.constant 0 : i32
      %dma_wait3A_98 = tpu.memref_slice %arg6[%run_scoped3A_5, %dma_wait3A_97] : memref<2x72xi32, #tpu.memory_space<vmem>> -> memref<1x72xi32, #tpu.memory_space<vmem>>
      %dma_wait3A_99 = tpu.memref_squeeze %dma_wait3A_98 : memref<1x72xi32, #tpu.memory_space<vmem>> -> memref<72xi32, #tpu.memory_space<vmem>>
      %dma_wait3A_100 = tpu.memref_slice %arg2[%add3A_4] : memref<4608xi32, #tpu.memory_space<hbm>> -> memref<72xi32, #tpu.memory_space<hbm>>
      tpu.wait_dma2 semaphore(%run_scoped3A_84 : memref<!tpu.dma_semaphore, #tpu.memory_space<semaphore_mem>>) src(%dma_wait3A_100 : memref<72xi32, #tpu.memory_space<hbm>>) dst(%dma_wait3A_99 : memref<72xi32, #tpu.memory_space<vmem>>)
      tpu.yield
    }) : () -> ()
    %dma_start3A = arith.constant 0 : i32
    %dma_start3A_6 = arith.constant 0 : i32
    %dma_start3A_7 = arith.constant 0 : i32
    %dma_start3A_8 = tpu.memref_slice %arg7[%dma_start3A_6, %dma_start3A_7] : memref<144x256xf32, #tpu.memory_space<vmem>> -> memref<72x256xf32, #tpu.memory_space<vmem>>
    %dma_start3A_9 = arith.constant 0 : i32
    %dma_start3A_10 = tpu.memref_slice %arg6[%dma_start3A, %dma_start3A_9] : memref<2x72xi32, #tpu.memory_space<vmem>> -> memref<1x72xi32, #tpu.memory_space<vmem>>
    %dma_start3A_11 = tpu.memref_squeeze %dma_start3A_10 : memref<1x72xi32, #tpu.memory_space<vmem>> -> memref<72xi32, #tpu.memory_space<vmem>>
    %dma_start3A_12 = arith.constant 0 : i32
    %dma_start3A_13 = arith.constant 0 : i32
    %dma_start3A_14 = tpu.memref_slice %arg3[%dma_start3A_12, %dma_start3A_13] : memref<8192x256xf32, #tpu.memory_space<hbm>> -> memref<8192x256xf32, #tpu.memory_space<hbm>>
    tpu.enqueue_indirect_dma source(%dma_start3A_14 : memref<8192x256xf32, #tpu.memory_space<hbm>>) target(%dma_start3A_8 : memref<72x256xf32, #tpu.memory_space<vmem>>) offsets(%dma_start3A_11 : memref<72xi32, #tpu.memory_space<vmem>>) semaphore(%arg11 : memref<!tpu.dma_semaphore, #tpu.memory_space<semaphore_mem>>)
    %dma_start3A_15 = arith.constant 1 : i32
    %dma_start3A_16 = arith.constant 72 : i32
    %dma_start3A_17 = arith.constant 0 : i32
    %dma_start3A_18 = tpu.memref_slice %arg7[%dma_start3A_16, %dma_start3A_17] : memref<144x256xf32, #tpu.memory_space<vmem>> -> memref<72x256xf32, #tpu.memory_space<vmem>>
    %dma_start3A_19 = arith.constant 0 : i32
    %dma_start3A_20 = tpu.memref_slice %arg6[%dma_start3A_15, %dma_start3A_19] : memref<2x72xi32, #tpu.memory_space<vmem>> -> memref<1x72xi32, #tpu.memory_space<vmem>>
    %dma_start3A_21 = tpu.memref_squeeze %dma_start3A_20 : memref<1x72xi32, #tpu.memory_space<vmem>> -> memref<72xi32, #tpu.memory_space<vmem>>
    %dma_start3A_22 = arith.constant 0 : i32
    %dma_start3A_23 = arith.constant 0 : i32
    %dma_start3A_24 = tpu.memref_slice %arg3[%dma_start3A_22, %dma_start3A_23] : memref<8192x256xf32, #tpu.memory_space<hbm>> -> memref<8192x256xf32, #tpu.memory_space<hbm>>
    tpu.enqueue_indirect_dma source(%dma_start3A_24 : memref<8192x256xf32, #tpu.memory_space<hbm>>) target(%dma_start3A_18 : memref<72x256xf32, #tpu.memory_space<vmem>>) offsets(%dma_start3A_21 : memref<72xi32, #tpu.memory_space<vmem>>) semaphore(%arg11 : memref<!tpu.dma_semaphore, #tpu.memory_space<semaphore_mem>>)
    %scan3A = arith.constant 0 : i32
    %scan3A_25 = arith.constant 0 : i32
    %scan3A_26 = arith.constant 5 : i32
    %scan3A_27 = arith.addi %scan3A_25, %scan3A_26 : i32
    %scan3A_28 = arith.constant 1 : i32
    scf.for %scan3A_84 = %scan3A_25 to %scan3A_27 step %scan3A_28  : i32 {
      %broadcast_in_dim3A = arith.constant 1.000000e+00 : f32
      %broadcast_in_dim3A_85 = vector.broadcast %broadcast_in_dim3A : f32 to vector<16xf32>
      %mul3A_86 = arith.constant 16 : i32
      %mul3A_87 = arith.muli %scan3A_84, %mul3A_86 : i32
      %swap3A = arith.index_cast %mul3A_87 : i32 to index
      %swap3A_88 = tpu.vector_load %arg8[%swap3A] {strides = array<i32>} : memref<80xf32, #tpu.memory_space<vmem>>, vector<16xf32>,
      %swap3A_89 = vector.shape_cast %swap3A_88 : vector<16xf32> to vector<16xf32>
      %swap3A_90 = vector.shape_cast %broadcast_in_dim3A_85 : vector<16xf32> to vector<16xf32>
      tpu.vector_store %arg8[%swap3A], %swap3A_90 {strides = array<i32>} : memref<80xf32, #tpu.memory_space<vmem>>, vector<16xf32>,
    }
    %scan3A_29 = arith.constant 5 : i32
    %scan3A_30 = arith.constant 0 : i32
    %scan3A_31 = arith.constant 0 : i32
    %scan3A_32 = arith.constant 32 : i32
    %scan3A_33 = arith.addi %scan3A_31, %scan3A_32 : i32
    %scan3A_34 = arith.constant 1 : i32
    scf.for %scan3A_84 = %scan3A_31 to %scan3A_33 step %scan3A_34  : i32 {
      %broadcast_in_dim3A = arith.constant 0.000000e+00 : f32
      %broadcast_in_dim3A_85 = vector.broadcast %broadcast_in_dim3A : f32 to vector<16xf32>
      %mul3A_86 = arith.constant 16 : i32
      %mul3A_87 = arith.muli %scan3A_84, %mul3A_86 : i32
      %swap3A = arith.index_cast %mul3A_87 : i32 to index
      %swap3A_88 = tpu.vector_load %arg9[%swap3A] {strides = array<i32>} : memref<512xf32, #tpu.memory_space<vmem>>, vector<16xf32>,
      %swap3A_89 = vector.shape_cast %swap3A_88 : vector<16xf32> to vector<16xf32>
      %swap3A_90 = vector.shape_cast %broadcast_in_dim3A_85 : vector<16xf32> to vector<16xf32>
      tpu.vector_store %arg9[%swap3A], %swap3A_90 {strides = array<i32>} : memref<512xf32, #tpu.memory_space<vmem>>, vector<16xf32>,
    }
    %scan3A_35 = arith.constant 32 : i32
    %mul3A_36 = arith.constant 512 : i32
    %mul3A_37 = arith.muli %arg1, %mul3A_36 : i32
    "tpu.region"() ({
      %run_scoped3A_84 = tpu.sem_alloc : memref<!tpu.dma_semaphore, #tpu.memory_space<semaphore_mem>>
      %dma_start3A_85 = tpu.memref_slice %arg10[%mul3A_37] : memref<8192xf32, #tpu.memory_space<vmem_shared>> -> memref<512xf32, #tpu.memory_space<vmem_shared>>
      %dma_start3A_86 = tpu.memref_slice %arg10[%mul3A_37] : memref<8192xf32, #tpu.memory_space<vmem_shared>> -> memref<512xf32, #tpu.memory_space<vmem_shared>>
      tpu.enqueue_dma source(%arg9 : memref<512xf32, #tpu.memory_space<vmem>>) target(%dma_start3A_86 : memref<512xf32, #tpu.memory_space<vmem_shared>>) target_semaphore(%run_scoped3A_84 : memref<!tpu.dma_semaphore, #tpu.memory_space<semaphore_mem>>)
      %dma_wait3A_87 = tpu.memref_slice %arg10[%mul3A_37] : memref<8192xf32, #tpu.memory_space<vmem_shared>> -> memref<512xf32, #tpu.memory_space<vmem_shared>>
      %dma_wait3A_88 = tpu.memref_slice %arg10[%mul3A_37] : memref<8192xf32, #tpu.memory_space<vmem_shared>> -> memref<512xf32, #tpu.memory_space<vmem_shared>>
      tpu.wait_dma2 semaphore(%run_scoped3A_84 : memref<!tpu.dma_semaphore, #tpu.memory_space<semaphore_mem>>) src(%arg9 : memref<512xf32, #tpu.memory_space<vmem>>) dst(%dma_wait3A_88 : memref<512xf32, #tpu.memory_space<vmem_shared>>)
      tpu.yield
    }) : () -> ()
    %barrier3A = arith.constant 0 : index
    tpu.barrier barrier_id(%barrier3A)
    %run_scoped3A_38 = arith.constant 0 : i32
    "tpu.region"() ({
      %run_scoped3A_84 = tpu.sem_alloc : memref<!tpu.dma_semaphore, #tpu.memory_space<semaphore_mem>>
      %dma_start3A_85 = arith.constant 0 : i32
      %dma_start3A_86 = tpu.memref_slice %arg8[%dma_start3A_85] : memref<80xf32, #tpu.memory_space<vmem>> -> memref<72xf32, #tpu.memory_space<vmem>>
      %dma_start3A_87 = arith.constant 0 : i32
      %dma_start3A_88 = tpu.memref_slice %arg6[%run_scoped3A_38, %dma_start3A_87] : memref<2x72xi32, #tpu.memory_space<vmem>> -> memref<1x72xi32, #tpu.memory_space<vmem>>
      %dma_start3A_89 = tpu.memref_squeeze %dma_start3A_88 : memref<1x72xi32, #tpu.memory_space<vmem>> -> memref<72xi32, #tpu.memory_space<vmem>>
      %dma_start3A_90 = arith.constant 0 : i32
      %dma_start3A_91 = tpu.memref_slice %arg10[%dma_start3A_90] : memref<8192xf32, #tpu.memory_space<vmem_shared>> -> memref<8192xf32, #tpu.memory_space<vmem_shared>>
      tpu.enqueue_indirect_dma source(%dma_start3A_86 : memref<72xf32, #tpu.memory_space<vmem>>) target(%dma_start3A_91 : memref<8192xf32, #tpu.memory_space<vmem_shared>>) offsets(%dma_start3A_89 : memref<72xi32, #tpu.memory_space<vmem>>) semaphore(%run_scoped3A_84 : memref<!tpu.dma_semaphore, #tpu.memory_space<semaphore_mem>>) {add = true}
      %dma_wait3A_92 = arith.constant 0 : i32
      %dma_wait3A_93 = tpu.memref_slice %arg8[%dma_wait3A_92] : memref<80xf32, #tpu.memory_space<vmem>> -> memref<72xf32, #tpu.memory_space<vmem>>
      %dma_wait3A_94 = arith.constant 0 : i32
      %dma_wait3A_95 = tpu.memref_slice %arg6[%run_scoped3A_38, %dma_wait3A_94] : memref<2x72xi32, #tpu.memory_space<vmem>> -> memref<1x72xi32, #tpu.memory_space<vmem>>
      %dma_wait3A_96 = tpu.memref_squeeze %dma_wait3A_95 : memref<1x72xi32, #tpu.memory_space<vmem>> -> memref<72xi32, #tpu.memory_space<vmem>>
      %dma_wait3A_97 = arith.constant 0 : i32
      %dma_wait3A_98 = tpu.memref_slice %arg10[%dma_wait3A_97] : memref<8192xf32, #tpu.memory_space<vmem_shared>> -> memref<8192xf32, #tpu.memory_space<vmem_shared>>
      tpu.wait_indirect_dma semaphore(%run_scoped3A_84 : memref<!tpu.dma_semaphore, #tpu.memory_space<semaphore_mem>>) src(%dma_wait3A_93 : memref<72xf32, #tpu.memory_space<vmem>>) dst(%dma_wait3A_98 : memref<8192xf32, #tpu.memory_space<vmem_shared>>)
      tpu.yield
    }) : () -> ()
    %run_scoped3A_39 = arith.constant 1 : i32
    "tpu.region"() ({
      %run_scoped3A_84 = tpu.sem_alloc : memref<!tpu.dma_semaphore, #tpu.memory_space<semaphore_mem>>
      %dma_start3A_85 = arith.constant 0 : i32
      %dma_start3A_86 = tpu.memref_slice %arg8[%dma_start3A_85] : memref<80xf32, #tpu.memory_space<vmem>> -> memref<72xf32, #tpu.memory_space<vmem>>
      %dma_start3A_87 = arith.constant 0 : i32
      %dma_start3A_88 = tpu.memref_slice %arg6[%run_scoped3A_39, %dma_start3A_87] : memref<2x72xi32, #tpu.memory_space<vmem>> -> memref<1x72xi32, #tpu.memory_space<vmem>>
      %dma_start3A_89 = tpu.memref_squeeze %dma_start3A_88 : memref<1x72xi32, #tpu.memory_space<vmem>> -> memref<72xi32, #tpu.memory_space<vmem>>
      %dma_start3A_90 = arith.constant 0 : i32
      %dma_start3A_91 = tpu.memref_slice %arg10[%dma_start3A_90] : memref<8192xf32, #tpu.memory_space<vmem_shared>> -> memref<8192xf32, #tpu.memory_space<vmem_shared>>
      tpu.enqueue_indirect_dma source(%dma_start3A_86 : memref<72xf32, #tpu.memory_space<vmem>>) target(%dma_start3A_91 : memref<8192xf32, #tpu.memory_space<vmem_shared>>) offsets(%dma_start3A_89 : memref<72xi32, #tpu.memory_space<vmem>>) semaphore(%run_scoped3A_84 : memref<!tpu.dma_semaphore, #tpu.memory_space<semaphore_mem>>) {add = true}
      %dma_wait3A_92 = arith.constant 0 : i32
      %dma_wait3A_93 = tpu.memref_slice %arg8[%dma_wait3A_92] : memref<80xf32, #tpu.memory_space<vmem>> -> memref<72xf32, #tpu.memory_space<vmem>>
      %dma_wait3A_94 = arith.constant 0 : i32
      %dma_wait3A_95 = tpu.memref_slice %arg6[%run_scoped3A_39, %dma_wait3A_94] : memref<2x72xi32, #tpu.memory_space<vmem>> -> memref<1x72xi32, #tpu.memory_space<vmem>>
      %dma_wait3A_96 = tpu.memref_squeeze %dma_wait3A_95 : memref<1x72xi32, #tpu.memory_space<vmem>> -> memref<72xi32, #tpu.memory_space<vmem>>
      %dma_wait3A_97 = arith.constant 0 : i32
      %dma_wait3A_98 = tpu.memref_slice %arg10[%dma_wait3A_97] : memref<8192xf32, #tpu.memory_space<vmem_shared>> -> memref<8192xf32, #tpu.memory_space<vmem_shared>>
      tpu.wait_indirect_dma semaphore(%run_scoped3A_84 : memref<!tpu.dma_semaphore, #tpu.memory_space<semaphore_mem>>) src(%dma_wait3A_93 : memref<72xf32, #tpu.memory_space<vmem>>) dst(%dma_wait3A_98 : memref<8192xf32, #tpu.memory_space<vmem_shared>>)
      tpu.yield
    }) : () -> ()
    %barrier3A_40 = arith.constant 0 : index
    tpu.barrier barrier_id(%barrier3A_40)
    %eq3A = arith.constant 0 : i32
    %eq3A_41 = arith.cmpi eq, %arg1, %eq3A : i32
    %convert_element_type3A = arith.extui %eq3A_41 : i1 to i32
    %cond3A = arith.constant 0 : i32
    %cond3A_42 = arith.cmpi ne, %convert_element_type3A, %cond3A : i32
    scf.if %cond3A_42 {
      "tpu.region"() ({
        %run_scoped3A_84 = tpu.sem_alloc : memref<!tpu.dma_semaphore, #tpu.memory_space<semaphore_mem>>
        %dma_start3A_85 = arith.constant 0 : i32
        %dma_start3A_86 = tpu.memref_slice %arg5[%arg0, %dma_start3A_85] : memref<2x8192xf32, #tpu.memory_space<hbm>> -> memref<1x8192xf32, #tpu.memory_space<hbm>>
        %dma_start3A_87 = tpu.memref_squeeze %dma_start3A_86 : memref<1x8192xf32, #tpu.memory_space<hbm>> -> memref<8192xf32, #tpu.memory_space<hbm>>
        tpu.enqueue_dma source(%arg10 : memref<8192xf32, #tpu.memory_space<vmem_shared>>) target(%dma_start3A_87 : memref<8192xf32, #tpu.memory_space<hbm>>) target_semaphore(%run_scoped3A_84 : memref<!tpu.dma_semaphore, #tpu.memory_space<semaphore_mem>>)
        %dma_wait3A_88 = arith.constant 0 : i32
        %dma_wait3A_89 = tpu.memref_slice %arg5[%arg0, %dma_wait3A_88] : memref<2x8192xf32, #tpu.memory_space<hbm>> -> memref<1x8192xf32, #tpu.memory_space<hbm>>
        %dma_wait3A_90 = tpu.memref_squeeze %dma_wait3A_89 : memref<1x8192xf32, #tpu.memory_space<hbm>> -> memref<8192xf32, #tpu.memory_space<hbm>>
        tpu.wait_dma2 semaphore(%run_scoped3A_84 : memref<!tpu.dma_semaphore, #tpu.memory_space<semaphore_mem>>) src(%arg10 : memref<8192xf32, #tpu.memory_space<vmem_shared>>) dst(%dma_wait3A_90 : memref<8192xf32, #tpu.memory_space<hbm>>)
        tpu.yield
      }) : () -> ()
    } else {
    }
    %dma_wait3A = arith.constant 0 : i32
    %dma_wait3A_43 = arith.constant 0 : i32
    %dma_wait3A_44 = arith.constant 0 : i32
    %dma_wait3A_45 = tpu.memref_slice %arg7[%dma_wait3A_43, %dma_wait3A_44] : memref<144x256xf32, #tpu.memory_space<vmem>> -> memref<72x256xf32, #tpu.memory_space<vmem>>
    %dma_wait3A_46 = arith.constant 0 : i32
    %dma_wait3A_47 = tpu.memref_slice %arg6[%dma_wait3A, %dma_wait3A_46] : memref<2x72xi32, #tpu.memory_space<vmem>> -> memref<1x72xi32, #tpu.memory_space<vmem>>
    %dma_wait3A_48 = tpu.memref_squeeze %dma_wait3A_47 : memref<1x72xi32, #tpu.memory_space<vmem>> -> memref<72xi32, #tpu.memory_space<vmem>>
    %dma_wait3A_49 = arith.constant 0 : i32
    %dma_wait3A_50 = arith.constant 0 : i32
    %dma_wait3A_51 = tpu.memref_slice %arg3[%dma_wait3A_49, %dma_wait3A_50] : memref<8192x256xf32, #tpu.memory_space<hbm>> -> memref<8192x256xf32, #tpu.memory_space<hbm>>
    tpu.wait_indirect_dma semaphore(%arg11 : memref<!tpu.dma_semaphore, #tpu.memory_space<semaphore_mem>>) src(%dma_wait3A_51 : memref<8192x256xf32, #tpu.memory_space<hbm>>) dst(%dma_wait3A_45 : memref<72x256xf32, #tpu.memory_space<vmem>>)
    %dma_start3A_52 = arith.constant 0 : i32
    %dma_start3A_53 = arith.constant 0 : i32
    %dma_start3A_54 = tpu.memref_slice %arg7[%dma_start3A_52, %dma_start3A_53] : memref<144x256xf32, #tpu.memory_space<vmem>> -> memref<72x256xf32, #tpu.memory_space<vmem>>
    %dma_start3A_55 = arith.constant 0 : i32
    %dma_start3A_56 = tpu.memref_slice %arg4[%mul3A_2, %dma_start3A_55] : memref<4608x256xf32, #tpu.memory_space<hbm>> -> memref<72x256xf32, #tpu.memory_space<hbm>>
    %dma_start3A_57 = arith.constant 0 : i32
    %dma_start3A_58 = tpu.memref_slice %arg4[%mul3A_2, %dma_start3A_57] : memref<4608x256xf32, #tpu.memory_space<hbm>> -> memref<72x256xf32, #tpu.memory_space<hbm>>
    %dma_start3A_59 = arith.constant 0 : i32
    %dma_start3A_60 = arith.constant 0 : i32
    %dma_start3A_61 = tpu.memref_slice %arg7[%dma_start3A_59, %dma_start3A_60] : memref<144x256xf32, #tpu.memory_space<vmem>> -> memref<72x256xf32, #tpu.memory_space<vmem>>
    tpu.enqueue_dma source(%dma_start3A_61 : memref<72x256xf32, #tpu.memory_space<vmem>>) target(%dma_start3A_58 : memref<72x256xf32, #tpu.memory_space<hbm>>) target_semaphore(%arg12 : memref<!tpu.dma_semaphore, #tpu.memory_space<semaphore_mem>>)
    %dma_wait3A_62 = arith.constant 1 : i32
    %dma_wait3A_63 = arith.constant 72 : i32
    %dma_wait3A_64 = arith.constant 0 : i32
    %dma_wait3A_65 = tpu.memref_slice %arg7[%dma_wait3A_63, %dma_wait3A_64] : memref<144x256xf32, #tpu.memory_space<vmem>> -> memref<72x256xf32, #tpu.memory_space<vmem>>
    %dma_wait3A_66 = arith.constant 0 : i32
    %dma_wait3A_67 = tpu.memref_slice %arg6[%dma_wait3A_62, %dma_wait3A_66] : memref<2x72xi32, #tpu.memory_space<vmem>> -> memref<1x72xi32, #tpu.memory_space<vmem>>
    %dma_wait3A_68 = tpu.memref_squeeze %dma_wait3A_67 : memref<1x72xi32, #tpu.memory_space<vmem>> -> memref<72xi32, #tpu.memory_space<vmem>>
    %dma_wait3A_69 = arith.constant 0 : i32
    %dma_wait3A_70 = arith.constant 0 : i32
    %dma_wait3A_71 = tpu.memref_slice %arg3[%dma_wait3A_69, %dma_wait3A_70] : memref<8192x256xf32, #tpu.memory_space<hbm>> -> memref<8192x256xf32, #tpu.memory_space<hbm>>
    tpu.wait_indirect_dma semaphore(%arg11 : memref<!tpu.dma_semaphore, #tpu.memory_space<semaphore_mem>>) src(%dma_wait3A_71 : memref<8192x256xf32, #tpu.memory_space<hbm>>) dst(%dma_wait3A_65 : memref<72x256xf32, #tpu.memory_space<vmem>>)
    %add3A_72 = arith.constant 72 : i32
    %add3A_73 = arith.addi %mul3A_2, %add3A_72 : i32
    "tpu.region"() ({
      %run_scoped3A_84 = tpu.sem_alloc : memref<!tpu.dma_semaphore, #tpu.memory_space<semaphore_mem>>
      %dma_start3A_85 = arith.constant 72 : i32
      %dma_start3A_86 = arith.constant 0 : i32
      %dma_start3A_87 = tpu.memref_slice %arg7[%dma_start3A_85, %dma_start3A_86] : memref<144x256xf32, #tpu.memory_space<vmem>> -> memref<72x256xf32, #tpu.memory_space<vmem>>
      %dma_start3A_88 = arith.constant 0 : i32
      %dma_start3A_89 = tpu.memref_slice %arg4[%add3A_73, %dma_start3A_88] : memref<4608x256xf32, #tpu.memory_space<hbm>> -> memref<72x256xf32, #tpu.memory_space<hbm>>
      %dma_start3A_90 = arith.constant 0 : i32
      %dma_start3A_91 = tpu.memref_slice %arg4[%add3A_73, %dma_start3A_90] : memref<4608x256xf32, #tpu.memory_space<hbm>> -> memref<72x256xf32, #tpu.memory_space<hbm>>
      %dma_start3A_92 = arith.constant 72 : i32
      %dma_start3A_93 = arith.constant 0 : i32
      %dma_start3A_94 = tpu.memref_slice %arg7[%dma_start3A_92, %dma_start3A_93] : memref<144x256xf32, #tpu.memory_space<vmem>> -> memref<72x256xf32, #tpu.memory_space<vmem>>
      tpu.enqueue_dma source(%dma_start3A_94 : memref<72x256xf32, #tpu.memory_space<vmem>>) target(%dma_start3A_91 : memref<72x256xf32, #tpu.memory_space<hbm>>) target_semaphore(%run_scoped3A_84 : memref<!tpu.dma_semaphore, #tpu.memory_space<semaphore_mem>>)
      %dma_wait3A_95 = arith.constant 72 : i32
      %dma_wait3A_96 = arith.constant 0 : i32
      %dma_wait3A_97 = tpu.memref_slice %arg7[%dma_wait3A_95, %dma_wait3A_96] : memref<144x256xf32, #tpu.memory_space<vmem>> -> memref<72x256xf32, #tpu.memory_space<vmem>>
      %dma_wait3A_98 = arith.constant 0 : i32
      %dma_wait3A_99 = tpu.memref_slice %arg4[%add3A_73, %dma_wait3A_98] : memref<4608x256xf32, #tpu.memory_space<hbm>> -> memref<72x256xf32, #tpu.memory_space<hbm>>
      %dma_wait3A_100 = arith.constant 0 : i32
      %dma_wait3A_101 = tpu.memref_slice %arg4[%add3A_73, %dma_wait3A_100] : memref<4608x256xf32, #tpu.memory_space<hbm>> -> memref<72x256xf32, #tpu.memory_space<hbm>>
      %dma_wait3A_102 = arith.constant 72 : i32
      %dma_wait3A_103 = arith.constant 0 : i32
      %dma_wait3A_104 = tpu.memref_slice %arg7[%dma_wait3A_102, %dma_wait3A_103] : memref<144x256xf32, #tpu.memory_space<vmem>> -> memref<72x256xf32, #tpu.memory_space<vmem>>
      tpu.wait_dma2 semaphore(%run_scoped3A_84 : memref<!tpu.dma_semaphore, #tpu.memory_space<semaphore_mem>>) src(%dma_wait3A_104 : memref<72x256xf32, #tpu.memory_space<vmem>>) dst(%dma_wait3A_101 : memref<72x256xf32, #tpu.memory_space<hbm>>)
      tpu.yield
    }) : () -> ()
    %dma_wait3A_74 = arith.constant 0 : i32
    %dma_wait3A_75 = arith.constant 0 : i32
    %dma_wait3A_76 = tpu.memref_slice %arg7[%dma_wait3A_74, %dma_wait3A_75] : memref<144x256xf32, #tpu.memory_space<vmem>> -> memref<72x256xf32, #tpu.memory_space<vmem>>
    %dma_wait3A_77 = arith.constant 0 : i32
    %dma_wait3A_78 = tpu.memref_slice %arg4[%mul3A_2, %dma_wait3A_77] : memref<4608x256xf32, #tpu.memory_space<hbm>> -> memref<72x256xf32, #tpu.memory_space<hbm>>
    %dma_wait3A_79 = arith.constant 0 : i32
    %dma_wait3A_80 = tpu.memref_slice %arg4[%mul3A_2, %dma_wait3A_79] : memref<4608x256xf32, #tpu.memory_space<hbm>> -> memref<72x256xf32, #tpu.memory_space<hbm>>
    %dma_wait3A_81 = arith.constant 0 : i32
    %dma_wait3A_82 = arith.constant 0 : i32
    %dma_wait3A_83 = tpu.memref_slice %arg7[%dma_wait3A_81, %dma_wait3A_82] : memref<144x256xf32, #tpu.memory_space<vmem>> -> memref<72x256xf32, #tpu.memory_space<vmem>>
    tpu.wait_dma2 semaphore(%arg12 : memref<!tpu.dma_semaphore, #tpu.memory_space<semaphore_mem>>) src(%dma_wait3A_83 : memref<72x256xf32, #tpu.memory_space<vmem>>) dst(%dma_wait3A_80 : memref<72x256xf32, #tpu.memory_space<hbm>>)
    return
  }
}

module attributes {stable_mosaic.version = 14 : i64} {
  func.func @_dist_argmax_body(%arg0: i32, %arg1: memref<512x1xf32, #tpu.memory_space<vmem>>, %arg2: memref<512x256xf32, #tpu.memory_space<vmem>>, %arg3: memref<8192x256xf32, #tpu.memory_space<vmem>>, %arg4: memref<1x8192xf32, #tpu.memory_space<vmem>>, %arg5: memref<1x1x512xi32, #tpu.memory_space<vmem>>) attributes {dimension_semantics = [#tpu.dimension_semantics<arbitrary>], iteration_bounds = array<i64: 9>, scalar_prefetch = 0 : i64, scratch_operands = 0 : i64, tpu.core_type = #tpu.core_type<tc>, window_params = [{transform_indices = @transform_0, window_bounds = array<i64: 512, 1>}, {transform_indices = @transform_1, window_bounds = array<i64: 512, 256>}, {pipeline_mode = #tpu.pipeline_mode<synchronous>, transform_indices = @transform_2, window_bounds = array<i64: 8192, 256>}, {pipeline_mode = #tpu.pipeline_mode<synchronous>, transform_indices = @transform_3, window_bounds = array<i64: 1, 8192>}, {transform_indices = @transform_4, window_bounds = array<i64: 1, 1, 512>}]} {
    %get3A = arith.constant 0 : index
    %get3A_0 = arith.constant 0 : index
    %get3A_1 = vector.load %arg1[%get3A, %get3A_0] : memref<512x1xf32, #tpu.memory_space<vmem>>, vector<512x1xf32>
    %neg3A = arith.constant 0.000000e+00 : f32
    %neg3A_2 = vector.broadcast %neg3A : f32 to vector<512x1xf32>
    %neg3A_3 = arith.subf %neg3A_2, %get3A_1 : vector<512x1xf32>
    %get3A_4 = arith.constant 0 : index
    %get3A_5 = arith.constant 0 : index
    %get3A_6 = vector.load %arg2[%get3A_4, %get3A_5] : memref<512x256xf32, #tpu.memory_space<vmem>>, vector<512x256xf32>
    %mul3A = arith.constant 2.000000e+00 : f32
    %mul3A_7 = vector.broadcast %mul3A : f32 to vector<512x256xf32>
    %mul3A_8 = arith.mulf %get3A_6, %mul3A_7 : vector<512x256xf32>
    %broadcast_in_dim3A = arith.constant 0xFF800000 : f32
    %broadcast_in_dim3A_9 = vector.broadcast %broadcast_in_dim3A : f32 to vector<512x1xf32>
    %broadcast_in_dim3A_10 = arith.constant 0.000000e+00 : f32
    %broadcast_in_dim3A_11 = vector.broadcast %broadcast_in_dim3A_10 : f32 to vector<512x1xf32>
    %iota3A = tpu.iota {dimensions = array<i32: 1>} : vector<512x1024xi32>
    %convert_element_type3A = arith.sitofp %iota3A : vector<512x1024xi32> to vector<512x1024xf32>
    %get3A_12 = arith.constant 0 : index
    %get3A_13 = arith.constant 0 : index
    %get3A_14 = vector.load %arg3[%get3A_12, %get3A_13] : memref<8192x256xf32, #tpu.memory_space<vmem>>, vector<1024x256xf32>
    %dot_general3A = arith.constant dense<0.000000e+00> : vector<512x1024xf32>
    %dot_general3A_15 = tpu.matmul %mul3A_8, %get3A_14, %dot_general3A {dimension_numbers = #tpu.dot_dimension_numbers<[1], [1], [0], [0], [0, 0, 1, 0], [], []>, transpose_lhs_hint = false} : vector<512x256xf32>, vector<1024x256xf32>, vector<512x1024xf32> -> vector<512x1024xf32>
    %get3A_16 = arith.constant 0 : index
    %get3A_17 = arith.constant 0 : index
    %get3A_18 = vector.load %arg4[%get3A_16, %get3A_17] : memref<1x8192xf32, #tpu.memory_space<vmem>>, vector<1x1024xf32>
    %sub3A = vector.broadcast %neg3A_3 : vector<512x1xf32> to vector<512x1024xf32>
    %sub3A_19 = vector.broadcast %get3A_18 : vector<1x1024xf32> to vector<512x1024xf32>
    %sub3A_20 = arith.subf %sub3A, %sub3A_19 : vector<512x1024xf32>
    %add3A = arith.addf %sub3A_20, %dot_general3A_15 : vector<512x1024xf32>
    %reduce_max3A = arith.constant dense<0xFF800000> : vector<512xf32>
    %reduce_max3A_21 = vector.multi_reduction <maximumf>, %add3A, %reduce_max3A [1] : vector<512x1024xf32> to vector<512xf32>
    %broadcast_in_dim3A_22 = vector.shape_cast %reduce_max3A_21 : vector<512xf32> to vector<512x1xf32>
    %eq3A = vector.broadcast %broadcast_in_dim3A_22 : vector<512x1xf32> to vector<512x1024xf32>
    %eq3A_23 = arith.cmpf oeq, %add3A, %eq3A : vector<512x1024xf32>
    %jit3A = arith.constant -1.000000e+00 : f32
    %broadcast_in_dim3A_24 = vector.broadcast %jit3A : f32 to vector<512x1024xf32>
    %select_n3A = arith.select %eq3A_23, %convert_element_type3A, %broadcast_in_dim3A_24 : vector<512x1024xi1>, vector<512x1024xf32>
    %reduce_max3A_25 = arith.constant dense<0xFF800000> : vector<512xf32>
    %reduce_max3A_26 = vector.multi_reduction <maximumf>, %select_n3A, %reduce_max3A_25 [1] : vector<512x1024xf32> to vector<512xf32>
    %broadcast_in_dim3A_27 = vector.shape_cast %reduce_max3A_26 : vector<512xf32> to vector<512x1xf32>
    %add3A_28 = arith.constant 0.000000e+00 : f32
    %add3A_29 = vector.broadcast %add3A_28 : f32 to vector<512x1xf32>
    %add3A_30 = arith.addf %broadcast_in_dim3A_27, %add3A_29 : vector<512x1xf32>
    %ge3A = arith.cmpf oge, %broadcast_in_dim3A_22, %broadcast_in_dim3A_9 : vector<512x1xf32>
    %select_n3A_31 = arith.select %ge3A, %add3A_30, %broadcast_in_dim3A_11 : vector<512x1xi1>, vector<512x1xf32>
    %select_n3A_32 = arith.select %ge3A, %broadcast_in_dim3A_22, %broadcast_in_dim3A_9 : vector<512x1xi1>, vector<512x1xf32>
    %get3A_33 = arith.constant 1024 : index
    %get3A_34 = arith.constant 0 : index
    %get3A_35 = vector.load %arg3[%get3A_33, %get3A_34] : memref<8192x256xf32, #tpu.memory_space<vmem>>, vector<1024x256xf32>
    %dot_general3A_36 = arith.constant dense<0.000000e+00> : vector<512x1024xf32>
    %dot_general3A_37 = tpu.matmul %mul3A_8, %get3A_35, %dot_general3A_36 {dimension_numbers = #tpu.dot_dimension_numbers<[1], [1], [0], [0], [0, 0, 1, 0], [], []>, transpose_lhs_hint = false} : vector<512x256xf32>, vector<1024x256xf32>, vector<512x1024xf32> -> vector<512x1024xf32>
    %get3A_38 = arith.constant 0 : index
    %get3A_39 = arith.constant 1024 : index
    %get3A_40 = vector.load %arg4[%get3A_38, %get3A_39] : memref<1x8192xf32, #tpu.memory_space<vmem>>, vector<1x1024xf32>
    %sub3A_41 = vector.broadcast %neg3A_3 : vector<512x1xf32> to vector<512x1024xf32>
    %sub3A_42 = vector.broadcast %get3A_40 : vector<1x1024xf32> to vector<512x1024xf32>
    %sub3A_43 = arith.subf %sub3A_41, %sub3A_42 : vector<512x1024xf32>
    %add3A_44 = arith.addf %sub3A_43, %dot_general3A_37 : vector<512x1024xf32>
    %reduce_max3A_45 = arith.constant dense<0xFF800000> : vector<512xf32>
    %reduce_max3A_46 = vector.multi_reduction <maximumf>, %add3A_44, %reduce_max3A_45 [1] : vector<512x1024xf32> to vector<512xf32>
    %broadcast_in_dim3A_47 = vector.shape_cast %reduce_max3A_46 : vector<512xf32> to vector<512x1xf32>
    %eq3A_48 = vector.broadcast %broadcast_in_dim3A_47 : vector<512x1xf32> to vector<512x1024xf32>
    %eq3A_49 = arith.cmpf oeq, %add3A_44, %eq3A_48 : vector<512x1024xf32>
    %jit3A_50 = arith.constant -1.000000e+00 : f32
    %broadcast_in_dim3A_51 = vector.broadcast %jit3A_50 : f32 to vector<512x1024xf32>
    %select_n3A_52 = arith.select %eq3A_49, %convert_element_type3A, %broadcast_in_dim3A_51 : vector<512x1024xi1>, vector<512x1024xf32>
    %reduce_max3A_53 = arith.constant dense<0xFF800000> : vector<512xf32>
    %reduce_max3A_54 = vector.multi_reduction <maximumf>, %select_n3A_52, %reduce_max3A_53 [1] : vector<512x1024xf32> to vector<512xf32>
    %broadcast_in_dim3A_55 = vector.shape_cast %reduce_max3A_54 : vector<512xf32> to vector<512x1xf32>
    %add3A_56 = arith.constant 1.024000e+03 : f32
    %add3A_57 = vector.broadcast %add3A_56 : f32 to vector<512x1xf32>
    %add3A_58 = arith.addf %broadcast_in_dim3A_55, %add3A_57 : vector<512x1xf32>
    %ge3A_59 = arith.cmpf oge, %broadcast_in_dim3A_47, %select_n3A_32 : vector<512x1xf32>
    %select_n3A_60 = arith.select %ge3A_59, %add3A_58, %select_n3A_31 : vector<512x1xi1>, vector<512x1xf32>
    %select_n3A_61 = arith.select %ge3A_59, %broadcast_in_dim3A_47, %select_n3A_32 : vector<512x1xi1>, vector<512x1xf32>
    %get3A_62 = arith.constant 2048 : index
    %get3A_63 = arith.constant 0 : index
    %get3A_64 = vector.load %arg3[%get3A_62, %get3A_63] : memref<8192x256xf32, #tpu.memory_space<vmem>>, vector<1024x256xf32>
    %dot_general3A_65 = arith.constant dense<0.000000e+00> : vector<512x1024xf32>
    %dot_general3A_66 = tpu.matmul %mul3A_8, %get3A_64, %dot_general3A_65 {dimension_numbers = #tpu.dot_dimension_numbers<[1], [1], [0], [0], [0, 0, 1, 0], [], []>, transpose_lhs_hint = false} : vector<512x256xf32>, vector<1024x256xf32>, vector<512x1024xf32> -> vector<512x1024xf32>
    %get3A_67 = arith.constant 0 : index
    %get3A_68 = arith.constant 2048 : index
    %get3A_69 = vector.load %arg4[%get3A_67, %get3A_68] : memref<1x8192xf32, #tpu.memory_space<vmem>>, vector<1x1024xf32>
    %sub3A_70 = vector.broadcast %neg3A_3 : vector<512x1xf32> to vector<512x1024xf32>
    %sub3A_71 = vector.broadcast %get3A_69 : vector<1x1024xf32> to vector<512x1024xf32>
    %sub3A_72 = arith.subf %sub3A_70, %sub3A_71 : vector<512x1024xf32>
    %add3A_73 = arith.addf %sub3A_72, %dot_general3A_66 : vector<512x1024xf32>
    %reduce_max3A_74 = arith.constant dense<0xFF800000> : vector<512xf32>
    %reduce_max3A_75 = vector.multi_reduction <maximumf>, %add3A_73, %reduce_max3A_74 [1] : vector<512x1024xf32> to vector<512xf32>
    %broadcast_in_dim3A_76 = vector.shape_cast %reduce_max3A_75 : vector<512xf32> to vector<512x1xf32>
    %eq3A_77 = vector.broadcast %broadcast_in_dim3A_76 : vector<512x1xf32> to vector<512x1024xf32>
    %eq3A_78 = arith.cmpf oeq, %add3A_73, %eq3A_77 : vector<512x1024xf32>
    %jit3A_79 = arith.constant -1.000000e+00 : f32
    %broadcast_in_dim3A_80 = vector.broadcast %jit3A_79 : f32 to vector<512x1024xf32>
    %select_n3A_81 = arith.select %eq3A_78, %convert_element_type3A, %broadcast_in_dim3A_80 : vector<512x1024xi1>, vector<512x1024xf32>
    %reduce_max3A_82 = arith.constant dense<0xFF800000> : vector<512xf32>
    %reduce_max3A_83 = vector.multi_reduction <maximumf>, %select_n3A_81, %reduce_max3A_82 [1] : vector<512x1024xf32> to vector<512xf32>
    %broadcast_in_dim3A_84 = vector.shape_cast %reduce_max3A_83 : vector<512xf32> to vector<512x1xf32>
    %add3A_85 = arith.constant 2.048000e+03 : f32
    %add3A_86 = vector.broadcast %add3A_85 : f32 to vector<512x1xf32>
    %add3A_87 = arith.addf %broadcast_in_dim3A_84, %add3A_86 : vector<512x1xf32>
    %ge3A_88 = arith.cmpf oge, %broadcast_in_dim3A_76, %select_n3A_61 : vector<512x1xf32>
    %select_n3A_89 = arith.select %ge3A_88, %add3A_87, %select_n3A_60 : vector<512x1xi1>, vector<512x1xf32>
    %select_n3A_90 = arith.select %ge3A_88, %broadcast_in_dim3A_76, %select_n3A_61 : vector<512x1xi1>, vector<512x1xf32>
    %get3A_91 = arith.constant 3072 : index
    %get3A_92 = arith.constant 0 : index
    %get3A_93 = vector.load %arg3[%get3A_91, %get3A_92] : memref<8192x256xf32, #tpu.memory_space<vmem>>, vector<1024x256xf32>
    %dot_general3A_94 = arith.constant dense<0.000000e+00> : vector<512x1024xf32>
    %dot_general3A_95 = tpu.matmul %mul3A_8, %get3A_93, %dot_general3A_94 {dimension_numbers = #tpu.dot_dimension_numbers<[1], [1], [0], [0], [0, 0, 1, 0], [], []>, transpose_lhs_hint = false} : vector<512x256xf32>, vector<1024x256xf32>, vector<512x1024xf32> -> vector<512x1024xf32>
    %get3A_96 = arith.constant 0 : index
    %get3A_97 = arith.constant 3072 : index
    %get3A_98 = vector.load %arg4[%get3A_96, %get3A_97] : memref<1x8192xf32, #tpu.memory_space<vmem>>, vector<1x1024xf32>
    %sub3A_99 = vector.broadcast %neg3A_3 : vector<512x1xf32> to vector<512x1024xf32>
    %sub3A_100 = vector.broadcast %get3A_98 : vector<1x1024xf32> to vector<512x1024xf32>
    %sub3A_101 = arith.subf %sub3A_99, %sub3A_100 : vector<512x1024xf32>
    %add3A_102 = arith.addf %sub3A_101, %dot_general3A_95 : vector<512x1024xf32>
    %reduce_max3A_103 = arith.constant dense<0xFF800000> : vector<512xf32>
    %reduce_max3A_104 = vector.multi_reduction <maximumf>, %add3A_102, %reduce_max3A_103 [1] : vector<512x1024xf32> to vector<512xf32>
    %broadcast_in_dim3A_105 = vector.shape_cast %reduce_max3A_104 : vector<512xf32> to vector<512x1xf32>
    %eq3A_106 = vector.broadcast %broadcast_in_dim3A_105 : vector<512x1xf32> to vector<512x1024xf32>
    %eq3A_107 = arith.cmpf oeq, %add3A_102, %eq3A_106 : vector<512x1024xf32>
    %jit3A_108 = arith.constant -1.000000e+00 : f32
    %broadcast_in_dim3A_109 = vector.broadcast %jit3A_108 : f32 to vector<512x1024xf32>
    %select_n3A_110 = arith.select %eq3A_107, %convert_element_type3A, %broadcast_in_dim3A_109 : vector<512x1024xi1>, vector<512x1024xf32>
    %reduce_max3A_111 = arith.constant dense<0xFF800000> : vector<512xf32>
    %reduce_max3A_112 = vector.multi_reduction <maximumf>, %select_n3A_110, %reduce_max3A_111 [1] : vector<512x1024xf32> to vector<512xf32>
    %broadcast_in_dim3A_113 = vector.shape_cast %reduce_max3A_112 : vector<512xf32> to vector<512x1xf32>
    %add3A_114 = arith.constant 3.072000e+03 : f32
    %add3A_115 = vector.broadcast %add3A_114 : f32 to vector<512x1xf32>
    %add3A_116 = arith.addf %broadcast_in_dim3A_113, %add3A_115 : vector<512x1xf32>
    %ge3A_117 = arith.cmpf oge, %broadcast_in_dim3A_105, %select_n3A_90 : vector<512x1xf32>
    %select_n3A_118 = arith.select %ge3A_117, %add3A_116, %select_n3A_89 : vector<512x1xi1>, vector<512x1xf32>
    %select_n3A_119 = arith.select %ge3A_117, %broadcast_in_dim3A_105, %select_n3A_90 : vector<512x1xi1>, vector<512x1xf32>
    %get3A_120 = arith.constant 4096 : index
    %get3A_121 = arith.constant 0 : index
    %get3A_122 = vector.load %arg3[%get3A_120, %get3A_121] : memref<8192x256xf32, #tpu.memory_space<vmem>>, vector<1024x256xf32>
    %dot_general3A_123 = arith.constant dense<0.000000e+00> : vector<512x1024xf32>
    %dot_general3A_124 = tpu.matmul %mul3A_8, %get3A_122, %dot_general3A_123 {dimension_numbers = #tpu.dot_dimension_numbers<[1], [1], [0], [0], [0, 0, 1, 0], [], []>, transpose_lhs_hint = false} : vector<512x256xf32>, vector<1024x256xf32>, vector<512x1024xf32> -> vector<512x1024xf32>
    %get3A_125 = arith.constant 0 : index
    %get3A_126 = arith.constant 4096 : index
    %get3A_127 = vector.load %arg4[%get3A_125, %get3A_126] : memref<1x8192xf32, #tpu.memory_space<vmem>>, vector<1x1024xf32>
    %sub3A_128 = vector.broadcast %neg3A_3 : vector<512x1xf32> to vector<512x1024xf32>
    %sub3A_129 = vector.broadcast %get3A_127 : vector<1x1024xf32> to vector<512x1024xf32>
    %sub3A_130 = arith.subf %sub3A_128, %sub3A_129 : vector<512x1024xf32>
    %add3A_131 = arith.addf %sub3A_130, %dot_general3A_124 : vector<512x1024xf32>
    %reduce_max3A_132 = arith.constant dense<0xFF800000> : vector<512xf32>
    %reduce_max3A_133 = vector.multi_reduction <maximumf>, %add3A_131, %reduce_max3A_132 [1] : vector<512x1024xf32> to vector<512xf32>
    %broadcast_in_dim3A_134 = vector.shape_cast %reduce_max3A_133 : vector<512xf32> to vector<512x1xf32>
    %eq3A_135 = vector.broadcast %broadcast_in_dim3A_134 : vector<512x1xf32> to vector<512x1024xf32>
    %eq3A_136 = arith.cmpf oeq, %add3A_131, %eq3A_135 : vector<512x1024xf32>
    %jit3A_137 = arith.constant -1.000000e+00 : f32
    %broadcast_in_dim3A_138 = vector.broadcast %jit3A_137 : f32 to vector<512x1024xf32>
    %select_n3A_139 = arith.select %eq3A_136, %convert_element_type3A, %broadcast_in_dim3A_138 : vector<512x1024xi1>, vector<512x1024xf32>
    %reduce_max3A_140 = arith.constant dense<0xFF800000> : vector<512xf32>
    %reduce_max3A_141 = vector.multi_reduction <maximumf>, %select_n3A_139, %reduce_max3A_140 [1] : vector<512x1024xf32> to vector<512xf32>
    %broadcast_in_dim3A_142 = vector.shape_cast %reduce_max3A_141 : vector<512xf32> to vector<512x1xf32>
    %add3A_143 = arith.constant 4.096000e+03 : f32
    %add3A_144 = vector.broadcast %add3A_143 : f32 to vector<512x1xf32>
    %add3A_145 = arith.addf %broadcast_in_dim3A_142, %add3A_144 : vector<512x1xf32>
    %ge3A_146 = arith.cmpf oge, %broadcast_in_dim3A_134, %select_n3A_119 : vector<512x1xf32>
    %select_n3A_147 = arith.select %ge3A_146, %add3A_145, %select_n3A_118 : vector<512x1xi1>, vector<512x1xf32>
    %select_n3A_148 = arith.select %ge3A_146, %broadcast_in_dim3A_134, %select_n3A_119 : vector<512x1xi1>, vector<512x1xf32>
    %get3A_149 = arith.constant 5120 : index
    %get3A_150 = arith.constant 0 : index
    %get3A_151 = vector.load %arg3[%get3A_149, %get3A_150] : memref<8192x256xf32, #tpu.memory_space<vmem>>, vector<1024x256xf32>
    %dot_general3A_152 = arith.constant dense<0.000000e+00> : vector<512x1024xf32>
    %dot_general3A_153 = tpu.matmul %mul3A_8, %get3A_151, %dot_general3A_152 {dimension_numbers = #tpu.dot_dimension_numbers<[1], [1], [0], [0], [0, 0, 1, 0], [], []>, transpose_lhs_hint = false} : vector<512x256xf32>, vector<1024x256xf32>, vector<512x1024xf32> -> vector<512x1024xf32>
    %get3A_154 = arith.constant 0 : index
    %get3A_155 = arith.constant 5120 : index
    %get3A_156 = vector.load %arg4[%get3A_154, %get3A_155] : memref<1x8192xf32, #tpu.memory_space<vmem>>, vector<1x1024xf32>
    %sub3A_157 = vector.broadcast %neg3A_3 : vector<512x1xf32> to vector<512x1024xf32>
    %sub3A_158 = vector.broadcast %get3A_156 : vector<1x1024xf32> to vector<512x1024xf32>
    %sub3A_159 = arith.subf %sub3A_157, %sub3A_158 : vector<512x1024xf32>
    %add3A_160 = arith.addf %sub3A_159, %dot_general3A_153 : vector<512x1024xf32>
    %reduce_max3A_161 = arith.constant dense<0xFF800000> : vector<512xf32>
    %reduce_max3A_162 = vector.multi_reduction <maximumf>, %add3A_160, %reduce_max3A_161 [1] : vector<512x1024xf32> to vector<512xf32>
    %broadcast_in_dim3A_163 = vector.shape_cast %reduce_max3A_162 : vector<512xf32> to vector<512x1xf32>
    %eq3A_164 = vector.broadcast %broadcast_in_dim3A_163 : vector<512x1xf32> to vector<512x1024xf32>
    %eq3A_165 = arith.cmpf oeq, %add3A_160, %eq3A_164 : vector<512x1024xf32>
    %jit3A_166 = arith.constant -1.000000e+00 : f32
    %broadcast_in_dim3A_167 = vector.broadcast %jit3A_166 : f32 to vector<512x1024xf32>
    %select_n3A_168 = arith.select %eq3A_165, %convert_element_type3A, %broadcast_in_dim3A_167 : vector<512x1024xi1>, vector<512x1024xf32>
    %reduce_max3A_169 = arith.constant dense<0xFF800000> : vector<512xf32>
    %reduce_max3A_170 = vector.multi_reduction <maximumf>, %select_n3A_168, %reduce_max3A_169 [1] : vector<512x1024xf32> to vector<512xf32>
    %broadcast_in_dim3A_171 = vector.shape_cast %reduce_max3A_170 : vector<512xf32> to vector<512x1xf32>
    %add3A_172 = arith.constant 5.120000e+03 : f32
    %add3A_173 = vector.broadcast %add3A_172 : f32 to vector<512x1xf32>
    %add3A_174 = arith.addf %broadcast_in_dim3A_171, %add3A_173 : vector<512x1xf32>
    %ge3A_175 = arith.cmpf oge, %broadcast_in_dim3A_163, %select_n3A_148 : vector<512x1xf32>
    %select_n3A_176 = arith.select %ge3A_175, %add3A_174, %select_n3A_147 : vector<512x1xi1>, vector<512x1xf32>
    %select_n3A_177 = arith.select %ge3A_175, %broadcast_in_dim3A_163, %select_n3A_148 : vector<512x1xi1>, vector<512x1xf32>
    %get3A_178 = arith.constant 6144 : index
    %get3A_179 = arith.constant 0 : index
    %get3A_180 = vector.load %arg3[%get3A_178, %get3A_179] : memref<8192x256xf32, #tpu.memory_space<vmem>>, vector<1024x256xf32>
    %dot_general3A_181 = arith.constant dense<0.000000e+00> : vector<512x1024xf32>
    %dot_general3A_182 = tpu.matmul %mul3A_8, %get3A_180, %dot_general3A_181 {dimension_numbers = #tpu.dot_dimension_numbers<[1], [1], [0], [0], [0, 0, 1, 0], [], []>, transpose_lhs_hint = false} : vector<512x256xf32>, vector<1024x256xf32>, vector<512x1024xf32> -> vector<512x1024xf32>
    %get3A_183 = arith.constant 0 : index
    %get3A_184 = arith.constant 6144 : index
    %get3A_185 = vector.load %arg4[%get3A_183, %get3A_184] : memref<1x8192xf32, #tpu.memory_space<vmem>>, vector<1x1024xf32>
    %sub3A_186 = vector.broadcast %neg3A_3 : vector<512x1xf32> to vector<512x1024xf32>
    %sub3A_187 = vector.broadcast %get3A_185 : vector<1x1024xf32> to vector<512x1024xf32>
    %sub3A_188 = arith.subf %sub3A_186, %sub3A_187 : vector<512x1024xf32>
    %add3A_189 = arith.addf %sub3A_188, %dot_general3A_182 : vector<512x1024xf32>
    %reduce_max3A_190 = arith.constant dense<0xFF800000> : vector<512xf32>
    %reduce_max3A_191 = vector.multi_reduction <maximumf>, %add3A_189, %reduce_max3A_190 [1] : vector<512x1024xf32> to vector<512xf32>
    %broadcast_in_dim3A_192 = vector.shape_cast %reduce_max3A_191 : vector<512xf32> to vector<512x1xf32>
    %eq3A_193 = vector.broadcast %broadcast_in_dim3A_192 : vector<512x1xf32> to vector<512x1024xf32>
    %eq3A_194 = arith.cmpf oeq, %add3A_189, %eq3A_193 : vector<512x1024xf32>
    %jit3A_195 = arith.constant -1.000000e+00 : f32
    %broadcast_in_dim3A_196 = vector.broadcast %jit3A_195 : f32 to vector<512x1024xf32>
    %select_n3A_197 = arith.select %eq3A_194, %convert_element_type3A, %broadcast_in_dim3A_196 : vector<512x1024xi1>, vector<512x1024xf32>
    %reduce_max3A_198 = arith.constant dense<0xFF800000> : vector<512xf32>
    %reduce_max3A_199 = vector.multi_reduction <maximumf>, %select_n3A_197, %reduce_max3A_198 [1] : vector<512x1024xf32> to vector<512xf32>
    %broadcast_in_dim3A_200 = vector.shape_cast %reduce_max3A_199 : vector<512xf32> to vector<512x1xf32>
    %add3A_201 = arith.constant 6.144000e+03 : f32
    %add3A_202 = vector.broadcast %add3A_201 : f32 to vector<512x1xf32>
    %add3A_203 = arith.addf %broadcast_in_dim3A_200, %add3A_202 : vector<512x1xf32>
    %ge3A_204 = arith.cmpf oge, %broadcast_in_dim3A_192, %select_n3A_177 : vector<512x1xf32>
    %select_n3A_205 = arith.select %ge3A_204, %add3A_203, %select_n3A_176 : vector<512x1xi1>, vector<512x1xf32>
    %select_n3A_206 = arith.select %ge3A_204, %broadcast_in_dim3A_192, %select_n3A_177 : vector<512x1xi1>, vector<512x1xf32>
    %get3A_207 = arith.constant 7168 : index
    %get3A_208 = arith.constant 0 : index
    %get3A_209 = vector.load %arg3[%get3A_207, %get3A_208] : memref<8192x256xf32, #tpu.memory_space<vmem>>, vector<1024x256xf32>
    %dot_general3A_210 = arith.constant dense<0.000000e+00> : vector<512x1024xf32>
    %dot_general3A_211 = tpu.matmul %mul3A_8, %get3A_209, %dot_general3A_210 {dimension_numbers = #tpu.dot_dimension_numbers<[1], [1], [0], [0], [0, 0, 1, 0], [], []>, transpose_lhs_hint = false} : vector<512x256xf32>, vector<1024x256xf32>, vector<512x1024xf32> -> vector<512x1024xf32>
    %get3A_212 = arith.constant 0 : index
    %get3A_213 = arith.constant 7168 : index
    %get3A_214 = vector.load %arg4[%get3A_212, %get3A_213] : memref<1x8192xf32, #tpu.memory_space<vmem>>, vector<1x1024xf32>
    %sub3A_215 = vector.broadcast %neg3A_3 : vector<512x1xf32> to vector<512x1024xf32>
    %sub3A_216 = vector.broadcast %get3A_214 : vector<1x1024xf32> to vector<512x1024xf32>
    %sub3A_217 = arith.subf %sub3A_215, %sub3A_216 : vector<512x1024xf32>
    %add3A_218 = arith.addf %sub3A_217, %dot_general3A_211 : vector<512x1024xf32>
    %reduce_max3A_219 = arith.constant dense<0xFF800000> : vector<512xf32>
    %reduce_max3A_220 = vector.multi_reduction <maximumf>, %add3A_218, %reduce_max3A_219 [1] : vector<512x1024xf32> to vector<512xf32>
    %broadcast_in_dim3A_221 = vector.shape_cast %reduce_max3A_220 : vector<512xf32> to vector<512x1xf32>
    %eq3A_222 = vector.broadcast %broadcast_in_dim3A_221 : vector<512x1xf32> to vector<512x1024xf32>
    %eq3A_223 = arith.cmpf oeq, %add3A_218, %eq3A_222 : vector<512x1024xf32>
    %jit3A_224 = arith.constant -1.000000e+00 : f32
    %broadcast_in_dim3A_225 = vector.broadcast %jit3A_224 : f32 to vector<512x1024xf32>
    %select_n3A_226 = arith.select %eq3A_223, %convert_element_type3A, %broadcast_in_dim3A_225 : vector<512x1024xi1>, vector<512x1024xf32>
    %reduce_max3A_227 = arith.constant dense<0xFF800000> : vector<512xf32>
    %reduce_max3A_228 = vector.multi_reduction <maximumf>, %select_n3A_226, %reduce_max3A_227 [1] : vector<512x1024xf32> to vector<512xf32>
    %broadcast_in_dim3A_229 = vector.shape_cast %reduce_max3A_228 : vector<512xf32> to vector<512x1xf32>
    %add3A_230 = arith.constant 7.168000e+03 : f32
    %add3A_231 = vector.broadcast %add3A_230 : f32 to vector<512x1xf32>
    %add3A_232 = arith.addf %broadcast_in_dim3A_229, %add3A_231 : vector<512x1xf32>
    %ge3A_233 = arith.cmpf oge, %broadcast_in_dim3A_221, %select_n3A_206 : vector<512x1xf32>
    %select_n3A_234 = arith.select %ge3A_233, %add3A_232, %select_n3A_205 : vector<512x1xi1>, vector<512x1xf32>
    %squeeze3A = vector.shape_cast %select_n3A_234 : vector<512x1xf32> to vector<512xf32>
    %convert_element_type3A_235 = arith.fptosi %squeeze3A : vector<512xf32> to vector<512xi32>
    %reshape3A = vector.shape_cast %convert_element_type3A_235 : vector<512xi32> to vector<1x1x512xi32>
    %swap3A = arith.constant 0 : index
    %swap3A_236 = arith.constant 0 : index
    %swap3A_237 = arith.constant 0 : index
    %swap3A_238 = vector.load %arg5[%swap3A, %swap3A_236, %swap3A_237] : memref<1x1x512xi32, #tpu.memory_space<vmem>>, vector<1x1x512xi32>
    tpu.vector_store %arg5[%swap3A, %swap3A_236, %swap3A_237], %reshape3A {strides = array<i32>} : memref<1x1x512xi32, #tpu.memory_space<vmem>>, vector<1x1x512xi32>,
    return
  }
  func.func @transform_0(%arg0: i32) -> (i32, i32) {
    %c0_i32 = arith.constant 0 : i32
    %c0_i32_0 = arith.constant 0 : i32
    return %arg0, %c0_i32 : i32, i32
  }
  func.func @transform_1(%arg0: i32) -> (i32, i32) {
    %c0_i32 = arith.constant 0 : i32
    %c0_i32_0 = arith.constant 0 : i32
    return %arg0, %c0_i32 : i32, i32
  }
  func.func @transform_2(%arg0: i32) -> (i32, i32) {
    %c0_i32 = arith.constant 0 : i32
    %c0_i32_0 = arith.constant 0 : i32
    %c0_i32_1 = arith.constant 0 : i32
    return %c0_i32, %c0_i32_0 : i32, i32
  }
  func.func @transform_3(%arg0: i32) -> (i32, i32) {
    %c0_i32 = arith.constant 0 : i32
    %c0_i32_0 = arith.constant 0 : i32
    %c0_i32_1 = arith.constant 0 : i32
    return %c0_i32, %c0_i32_0 : i32, i32
  }
  func.func @transform_4(%arg0: i32) -> (i32, i32, i32) {
    %c0_i32 = arith.constant 0 : i32
    %c0_i32_0 = arith.constant 0 : i32
    %c0_i32_1 = arith.constant 0 : i32
    return %arg0, %c0_i32, %c0_i32_0 : i32, i32, i32
  }
}

module attributes {stable_mosaic.version = 14 : i64} {
  func.func @_finalize_body(%arg0: memref<4608x256xf32, #tpu.memory_space<vmem>>, %arg1: memref<4608x256xf32, #tpu.memory_space<vmem>>, %arg2: memref<2x8192xf32, #tpu.memory_space<vmem>>, %arg3: memref<1x1xf32, #tpu.memory_space<vmem>>, %arg4: memref<1x1xf32, #tpu.memory_space<vmem>>) attributes {dimension_semantics = [], scalar_prefetch = 0 : i64, scratch_operands = 0 : i64, tpu.core_type = #tpu.core_type<tc>} {
    %get3A = arith.constant 0 : index
    %get3A_0 = arith.constant 0 : index
    %get3A_1 = vector.load %arg0[%get3A, %get3A_0] : memref<4608x256xf32, #tpu.memory_space<vmem>>, vector<4608x256xf32>
    %get3A_2 = arith.constant 0 : index
    %get3A_3 = arith.constant 0 : index
    %get3A_4 = vector.load %arg1[%get3A_2, %get3A_3] : memref<4608x256xf32, #tpu.memory_space<vmem>>, vector<4608x256xf32>
    %sub3A = arith.subf %get3A_1, %get3A_4 : vector<4608x256xf32>
    %mul3A = arith.mulf %sub3A, %sub3A : vector<4608x256xf32>
    %reduce_sum3A = vector.shape_cast %mul3A : vector<4608x256xf32> to vector<1x4608x256xf32>
    %reduce_sum3A_5 = arith.constant dense<0.000000e+00> : vector<1xf32>
    %reduce_sum3A_6 = vector.multi_reduction <add>, %reduce_sum3A, %reduce_sum3A_5 [1, 2] : vector<1x4608x256xf32> to vector<1xf32>
    %reduce_sum3A_7 = vector.shape_cast %reduce_sum3A_6 : vector<1xf32> to vector<1x1x1xf32>
    %reduce_sum3A_8 = vector.extract %reduce_sum3A_7[0, 0, 0] : f32 from vector<1x1x1xf32>
    %mul3A_9 = arith.constant 8.4771051E-7 : f32
    %mul3A_10 = arith.mulf %reduce_sum3A_8, %mul3A_9 : f32
    %mul3A_11 = arith.constant 2.500000e-01 : f32
    %mul3A_12 = arith.mulf %mul3A_11, %mul3A_10 : f32
    %add3A = arith.addf %mul3A_12, %mul3A_10 : f32
    %reshape3A = vector.broadcast %add3A : f32 to vector<1x1xf32>
    %swap3A = arith.constant 0 : index
    %swap3A_13 = arith.constant 0 : index
    %swap3A_14 = vector.load %arg3[%swap3A, %swap3A_13] : memref<1x1xf32, #tpu.memory_space<vmem>>, vector<1x1xf32>
    tpu.vector_store %arg3[%swap3A, %swap3A_13], %reshape3A {strides = array<i32>} : memref<1x1xf32, #tpu.memory_space<vmem>>, vector<1x1xf32>,
    %get3A_15 = arith.constant 0 : index
    %get3A_16 = arith.constant 0 : index
    %get3A_17 = vector.load %arg2[%get3A_15, %get3A_16] : memref<2x8192xf32, #tpu.memory_space<vmem>>, vector<2x8192xf32>
    %reduce_sum3A_18 = arith.constant dense<0.000000e+00> : vector<8192xf32>
    %reduce_sum3A_19 = vector.multi_reduction <add>, %get3A_17, %reduce_sum3A_18 [0] : vector<2x8192xf32> to vector<8192xf32>
    %broadcast_in_dim3A = vector.shape_cast %reduce_sum3A_19 : vector<8192xf32> to vector<1x8192xf32>
    %mul3A_20 = arith.constant 2.17013891E-4 : f32
    %mul3A_21 = vector.broadcast %mul3A_20 : f32 to vector<1x8192xf32>
    %mul3A_22 = arith.mulf %broadcast_in_dim3A, %mul3A_21 : vector<1x8192xf32>
    %add3A_23 = arith.constant 1.000000e-10 : f32
    %add3A_24 = vector.broadcast %add3A_23 : f32 to vector<1x8192xf32>
    %add3A_25 = arith.addf %mul3A_22, %add3A_24 : vector<1x8192xf32>
    %log3A = math.log %add3A_25 : vector<1x8192xf32>
    %mul3A_26 = arith.mulf %mul3A_22, %log3A : vector<1x8192xf32>
    %reduce_sum3A_27 = vector.shape_cast %mul3A_26 : vector<1x8192xf32> to vector<1x1x8192xf32>
    %reduce_sum3A_28 = arith.constant dense<0.000000e+00> : vector<1xf32>
    %reduce_sum3A_29 = vector.multi_reduction <add>, %reduce_sum3A_27, %reduce_sum3A_28 [1, 2] : vector<1x1x8192xf32> to vector<1xf32>
    %reduce_sum3A_30 = vector.shape_cast %reduce_sum3A_29 : vector<1xf32> to vector<1x1x1xf32>
    %reduce_sum3A_31 = vector.extract %reduce_sum3A_30[0, 0, 0] : f32 from vector<1x1x1xf32>
    %neg3A = arith.constant 0.000000e+00 : f32
    %neg3A_32 = arith.subf %neg3A, %reduce_sum3A_31 : f32
    %exp3A = math.exp %neg3A_32 : f32
    %reshape3A_33 = vector.broadcast %exp3A : f32 to vector<1x1xf32>
    %swap3A_34 = arith.constant 0 : index
    %swap3A_35 = arith.constant 0 : index
    %swap3A_36 = vector.load %arg4[%swap3A_34, %swap3A_35] : memref<1x1xf32, #tpu.memory_space<vmem>>, vector<1x1xf32>
    tpu.vector_store %arg4[%swap3A_34, %swap3A_35], %reshape3A_33 {strides = array<i32>} : memref<1x1xf32, #tpu.memory_space<vmem>>, vector<1x1xf32>,
    return
  }
}

</mosaic_0001>

<sc_bundles>
// kernel: kernel.5.cloned.1.call-start
scs
__scs_entry_jumppad:
0x0: {  	(pc) =	sbr.rel $0x88, $3  }
0x1: {  	(tag) =	ssettag $0x0;
	lr =	simm.s32 $0x1  }
0x2: {  	[smem:$0x3F9F] =	sst lr;
	_ =	strace $0xD0000000  }
0x3: {  	_ = 	snop  }
0x4: {  	_ = 	snop  }
0x5: {  	_ = 	snop  }
0x6: {  	_ = 	snop  }
0x7: {  	_ = 	snop  }
__scs_overlays_trampoline_lowered:
0x8: {  	[smem:$0x3FAE] =	sst s0  }
0x9: {  	[smem:$0x3FAF] =	sst s1  }
0xa: {  	[smem:$0x3FB0] =	sst s2  }
0xb: {  	[smem:$0x3FB1] =	sst s3  }
0xc: {  	[smem:$0x3FB2] =	sst s4  }
0xd: {  	[smem:$0x3FB3] =	sst s5  }
0xe: {  	[smem:$0x3FB4] =	sst s6  }
0xf: {  	[smem:$0x3FB5] =	sst s7  }
0x10: {  	[smem:$0x3FB6] =	sst s8  }
0x11: {  	[smem:$0x3FB7] =	sst s9;
	s0 =	simm.s32 @!p0 $0x0  }
0x12: {  	s1 =	sld [smem:$0x3F9D];
	s0 =	simm.s32 @p0 $0x1  }
0x13: {  	[smem:$0x3FB8] =	sst s0;
	s0 =	simm.s32 @!p1 $0x0  }
0x14: {  	s2 =	sld [smem:$0x3F9C];
	s0 =	simm.s32 @p1 $0x1  }
0x15: {  	[smem:$0x3FB9] =	sst s0;
	s0 =	simm.s32 @!p2 $0x0  }
0x16: {  	s3 =	sld [smem:$0x3FDB];
	s0 =	simm.s32 @p2 $0x1  }
0x17: {  	s4 =	simm.s32 $0x1BF5;
	[smem:$0x3FBB] =	sst s0  }
0x18: {  	s0 =	sld [smem:$0x3F9E];
	_ =	swait.ge [sflag:s4], $0x0  }
0x19: {  	s7 =	sld [smem:$0x3F9F]  }
0x1a: {  	s8 =	sadd.s32 $0xFFFFE003, lr  }
0x1b: {  	s9 =	sadd.s32 $0xFFFFFEF7, lr;
	s5 =	simm.s32 $0xFFFFFFFF;
	p2 =	slt.u32 s8, $0xFFFFF086  }
0x1c: {  	p1 =	slt.u32 s9, $0xF7A;
	s5 =	simm.s32 @!p2 $0x0  }
0x1d: {  	s5 =	simm.s32 @p1 $0x1;
	p0 =	seq.s32 s7, s2  }
0x1e: {  	s7 =	smul.u32 @!p0 $0xF7A, s2;
	p2 =	seq.s32 @!p0 s5, $0x0  }
0x1f: {  	s9 =	smul.u32 $0xF7A, s1;
	s8 =	simm.s32 @!p0 $0x1BF5;
	p2 =	por !p2, p0  }
0x20: {  	[sflag:s8] =	ssyncset.s32 @!p0 $0xFFFFF086;
	s6 =	sadd.s32 @!p0 s3, s7;
	s7 =	simm.s32 @!p0 $0x108  }
0x21: {  	s3 =	sadd.s32 s3, s9;
	s6 =	sadd.s32 @!p0 $0x88, s6;
	s7 =	simm.s32 @p2 $0x1082  }
0x22: {  	[simem:s7], [sflag:s8] =	dma.local @!p0 [hbm:s6], $0xF7A  }
0x23: {  	s9 =	sor.u32 $0xD0000000, s2;
	s6 =	simm.s32 $0x108;
	_ =	swait.ge @!p0 [sflag:s8], $0x0  }
0x24: {  	s3 =	sadd.s32 $0x88, s3;
	s6 =	simm.s32 @!p1 $0x1082;
	[sflag:s4] =	ssyncset.s32 $0xFFFFF086  }
0x25: {  	[simem:s6], [sflag:s4] =	dma.local [hbm:s3], $0xF7A  }
0x26: {  	[smem:$0x3F9F] =	sst s1;
	(tag) =	ssettag s2;
	_ =	strace s9  }
0x27: {  	s1 =	sld [smem:$0x3FAF]  }
0x28: {  	s2 =	sld [smem:$0x3FB0]  }
0x29: {  	s4 =	sld [smem:$0x3FB2]  }
0x2a: {  	p0 =	seq.s32 s5, $0x0;
	s5 =	sld [smem:$0x3FB3]  }
0x2b: {  	s6 =	sld [smem:$0x3FB4]  }
0x2c: {  	s7 =	sld [smem:$0x3FB5]  }
0x2d: {  	s3 =	simm.s32 $0x108;
	s8 =	sld [smem:$0x3FB6]  }
0x2e: {  	s3 =	simm.s32 @!p0 $0x1082;
	s9 =	sld [smem:$0x3FB7]  }
0x2f: {  	lr =	sadd.s32 s0, s3;
	s0 =	sld [smem:$0x3FAE]  }
0x30: {  	s3 =	sld [smem:$0x3FB1]  }
0x31: {  	[smem:$0x3FBA] =	sst s10  }
0x32: {  	s10 =	sld [smem:$0x3FB8];
	_ =	sdelay $0x3  }
0x33: {  	p0 =	seq.s32 s10, $0x1;
	s10 =	sld [smem:$0x3FBA];
	_ =	sdelay $0x3  }
0x34: {  	[smem:$0x3FBA] =	sst s10  }
0x35: {  	s10 =	sld [smem:$0x3FB9];
	_ =	sdelay $0x3  }
0x36: {  	p1 =	seq.s32 s10, $0x1;
	s10 =	sld [smem:$0x3FBA];
	_ =	sdelay $0x3  }
0x37: {  	[smem:$0x3FBA] =	sst s10  }
0x38: {  	s10 =	sld [smem:$0x3FBB]  }
0x39: {  	_ = 	snop;
	(pc) =	sbr.ind lr, $3  }
0x3a: {  	_ = 	snop  }
0x3b: {  	_ = 	snop  }
0x3c: {  	p2 =	seq.s32 s10, $0x1;
	s10 =	sld [smem:$0x3FBA]  }
0x3d: {  	_ =	shalt  }
0x3e: {  	_ =	shalt  }
0x3f: {  	_ =	shalt  }
0x40: {  	_ =	shalt  }
0x41: {  	_ =	shalt  }
0x42: {  	_ =	shalt  }
0x43: {  	_ =	shalt  }
0x44: {  	_ =	shalt  }
0x45: {  	_ =	shalt  }
0x46: {  	_ =	shalt  }
0x47: {  	_ =	shalt  }
0x48: {  	_ =	shalt  }
0x49: {  	_ =	shalt  }
0x4a: {  	_ =	shalt  }
0x4b: {  	_ =	shalt  }
0x4c: {  	_ =	shalt  }
0x4d: {  	_ =	shalt  }
0x4e: {  	_ =	shalt  }
0x4f: {  	_ =	shalt  }
0x50: {  	_ =	shalt  }
0x51: {  	_ =	shalt  }
0x52: {  	_ =	shalt  }
0x53: {  	_ =	shalt  }
0x54: {  	_ =	shalt  }
0x55: {  	_ =	shalt  }
0x56: {  	_ =	shalt  }
0x57: {  	_ =	shalt  }
0x58: {  	_ =	shalt  }
0x59: {  	_ =	shalt  }
0x5a: {  	_ =	shalt  }
0x5b: {  	_ =	shalt  }
0x5c: {  	_ =	shalt  }
0x5d: {  	_ =	shalt  }
0x5e: {  	_ =	shalt  }
0x5f: {  	_ =	shalt  }
0x60: {  	_ =	shalt  }
0x61: {  	_ =	shalt  }
0x62: {  	_ =	shalt  }
0x63: {  	_ =	shalt  }
0x64: {  	_ =	shalt  }
0x65: {  	_ =	shalt  }
0x66: {  	_ =	shalt  }
0x67: {  	_ =	shalt  }
0x68: {  	_ =	shalt  }
0x69: {  	_ =	shalt  }
0x6a: {  	_ =	shalt  }
0x6b: {  	_ =	shalt  }
0x6c: {  	_ =	shalt  }
0x6d: {  	_ =	shalt  }
0x6e: {  	_ =	shalt  }
0x6f: {  	_ =	shalt  }
0x70: {  	_ =	shalt  }
0x71: {  	_ =	shalt  }
0x72: {  	_ =	shalt  }
0x73: {  	_ =	shalt  }
0x74: {  	_ =	shalt  }
0x75: {  	_ =	shalt  }
0x76: {  	_ =	shalt  }
0x77: {  	_ =	shalt  }
0x78: {  	_ =	shalt  }
0x79: {  	_ =	shalt  }
0x7a: {  	_ =	shalt  }
0x7b: {  	_ =	shalt  }
0x7c: {  	_ =	shalt  }
0x7d: {  	_ =	shalt  }
0x7e: {  	_ =	shalt  }
0x7f: {  	_ =	shalt  }
0x80: {  	_ =	shalt  }
0x81: {  	_ =	shalt  }
0x82: {  	_ =	shalt  }
0x83: {  	_ =	shalt  }
0x84: {  	_ =	shalt  }
0x85: {  	_ =	shalt  }
0x86: {  	_ =	shalt  }
0x87: {  	_ =	shalt  }
.Lfunc_end0:
.L_simem_size_0:
called_computation_lowered:
.L_overlay_start_0:
0x88: {  	s2 =	sld [smem:$0x3FD9]  }
0x89: {  	s3 =	sld [smem:$0x3FFE];
	_ =	sdelay $0x1  }
0x8a: {  	s1 =	srdreg.scid  }
0x8b: {  	s0 =	sand.u32 $0x1, s1  }
0x8c: {  	s14 =	sshll.u32 s0, $0xA;
	s2 =	sadd.s32 s3, s2  }
0x8d: {  	s2 =	sadd.s32 s2, s14  }
0x8e: {  	[smem:$0x3FC6] =	sst s2  }
0x8f: {  	_ = 	snop  }
0x90: {  	s2 =	sld [smem:$0x3FD0];
	_ =	sdelay $0x2  }
0x91: {  	s4 =	simm.s32 $0xA;
	s5 =	simm.s32 $0x10;
	s15 =	sld [smem:$0x3FC8]  }
0x92: {  	[smem:s5], [sflag:s4] =	dma.local [hbm:s2], $0x1  }
0x93: {  	_ =	swait.eq [sflag:s4], $0x1  }
0x94: {  	[sflag:s4] =	ssyncset.done $0x0  }
0x95: {  	s16 =	sld [smem:$0x10];
	[sflag:s4] =	ssyncadd.s32 $0xFFFFFFFF  }
0x96: {  	s17 =	sld [smem:$0x13];
	(tm) =	ssettm $0x1  }
0x97: {  	s18 =	sld [smem:$0x3FFB];
	_ =	sdelay $0x3  }
0x98: {  	_ =	strace s18  }
0x99: {  	s5 =	sld [smem:$0x3FFC];
	_ =	sdelay $0x3  }
0x9a: {  	_ =	strace s5  }
0x9b: {  	s5 =	sld [smem:$0x3FFD];
	_ =	sdelay $0x3  }
0x9c: {  	_ =	strace s5  }
0x9d: {  	_ =	strace $0x8FFFFFFF  }
0x9e: {  	s19 =	sld [smem:$0x3FDB];
	_ =	sdelay $0x1  }
0x9f: {  	s6 =	simm.s32 $_scs_section_size  }
0xa0: {  	s7 =	simm.s32 $_size__tile_overlayer_lowered;
	s8 =	simm.s32 $_tile_overlayer_lowered  }
0xa1: {  	s22 =	simm.s32 $0x1BFF;
	s21 =	sshll.u32 s8, $0x1;
	s5 =	sadd.s32 s6, s19  }
0xa2: {  	s9 =	simm.s32 $0x0;
	s20 =	sshll.u32 s7, $0x1;
	s7 =	sadd.s32 s21, s5  }
0xa3: {  	[timem:s9], [sflag:s22] =	dma.local [hbm:s7], s20  }
0xa4: {  	_ =	swait.ge [sflag:s22], s20  }
0xa5: {  	s6 =	ssub.s32 $0x0, s20;
	[sflag:s22] =	ssyncset.done $0x0  }
0xa6: {  	[sflag:s22] =	ssyncadd.s32 s6;
	_ =	sdelay $0x1  }
0xa7: {  	s23 =	simm.s32 $0x1B8B  }
0xa8: {  	_ =	swait.ge [sflag:s23], $0x1  }
0xa9: {  	[sflag:s23] =	ssyncset.done $0x0  }
0xaa: {  	s25 =	simm.s32 $0x1B8E;
	s24 =	sld [smem:$0x3FFE];
	[sflag:s23] =	ssyncadd.s32 $0xFFFFFFFF  }
0xab: {  	s26 =	simm.s32 $execute0_lowered;
	[smem:$0x3FD2] =	sst s25  }
0xac: {  	s7 =	sshll.u32 s26, $0x1;
	_ =	strace $0x80000046;
	[dreg:$0x1] =	wrdreg $0xFFFFFFFF  }
0xad: {  	s28 =	simm.s32 $_size_execute0_lowered;
	s5 =	sadd.s32 s5, s7;
	[dreg:$0x0] =	wrdreg $0x0  }
0xae: {  	s7 =	sshll.u32 s28, $0x1;
	[dreg:$0x2] =	wrdreg s5  }
0xaf: {  	[dreg:$0x3] =	wrdreg s7  }
0xb0: {  	[dreg:$0x4] =	wrdreg $0xC0  }
0xb1: {  	_ =	task [dreg:s9], $0x5FFFF  }
0xb2: {  	[dreg:$0x1] =	wrdreg $0xFFFFFFFF  }
0xb3: {  	[dreg:$0x0] =	wrdreg $0x60  }
0xb4: {  	[dreg:$0x2] =	wrdreg s17  }
0xb5: {  	[dreg:$0x3] =	wrdreg s15  }
0xb6: {  	[dreg:$0x4] =	wrdreg s16  }
0xb7: {  	[dreg:$0x5] =	wrdreg s24  }
0xb8: {  	[dreg:$0x6] =	wrdreg $0x93800  }
0xb9: {  	[dreg:$0x7] =	wrdreg $0x9  }
0xba: {  	_ =	task.clear_ibuf [dreg:s9], $0x8FFFF;
	_ =	strace $0x90000046  }
0xbb: {  	s29 =	simm.s32 $0x9;
	_ =	strace $0x80000048  }
0xbc: {  	_ =	swait.ge [sflag:s29], $0x1  }
0xbd: {  	[sflag:s29] =	ssyncadd.s32 $0xFFFFFFFF  }
0xbe: {  	_ =	strace $0x90000048  }
0xbf: {  	_ =	sfence  }
0xc0: {  	s30 =	sld [smem:$0x0];
	_ =	sdelay $0x2  }
0xc1: {  	s31 =	sshll.u32 s1, $0xD;
	s1 =	sshrl.u32 s1, $0x2  }
0xc2: {  	s3 =	sand.u32 $0x4000, s31;
	s1 =	sadd.s32 s1, s30  }
0xc3: {  	s0 =	sor.u32 s3, s0;
	s1 =	sshll.u32 s1, $0x11  }
0xc4: {  	s0 =	sor.u32 s1, s0  }
0xc5: {  	s0 =	sadd.s32 $0x8F2B, s0  }
0xc6: {  	[sflag:s0] =	ssyncadd.remote.s32 $0x1  }
0xc7: {  	_ =	sfence.sel $0xFFFF  }
0xc8: {  	[dreg:$0x0] =	wrdreg $0xFFFFFFFF;
	(pc) =	sbr.abs _section_cstart, $3  }
0xc9: {  	[dreg:$0x1] =	wrdreg $0xFFFFFFFF  }
0xca: {  	_ =	task.clear_ibuf [dreg:s9], $0x2FFFF;
	_ =	strace $0x9FFFFFFF  }
0xcb: {  	(tm) =	ssettm $0x7FFFFFFF  }
tec
execute0_lowered:
.L_overlay_start_1:
0x0: {  	(tag) =	ssettag $0x1  }
0x1: {  	s4 =	rddreg [dreg:$0x0]  }
0x2: {  	s0 =	rddreg [dreg:$0x1]  }
0x3: {  	s5 =	rddreg [dreg:$0x2]  }
0x4: {  	s1 =	srdreg.scid;
	s7 =	rddreg [dreg:$0x3]  }
0x5: {  	s9 =	stileid.u32;
	s2 =	rddreg [dreg:$0x4]  }
0x6: {  	s3 =	simm.s32 $0x0;
	s28 =	simm.s32 $0x900;
	s29 =	simm.s32 $0x1100  }
0x7: {  	s30 =	simm.s32 $0x1900;
	s31 =	simm.s32 $0x2100;
	s13 =	simm.s32 $0x5100  }
0x8: {  	s14 =	simm.s32 $0x5900;
	s15 =	simm.s32 $0x6100;
	[smem:$0x7FF] =	sst s3  }
0x9: {  	s6 =	sand.u32 $0x1, s1;
	_ =	strace $0x80000047;
	[dreg:$0xc] =	wrdreg s28  }
0xa: {  	s18 =	sshll.u32 s9, $0x9;
	p0 =	sne.s32 s9, $0x0;
	[dreg:$0xd] =	wrdreg s29  }
0xb: {  	s8 =	sshll.u32 s6, $0x4;
	s19 =	sadd.s32 s18, s2;
	[dreg:$0xe] =	wrdreg s30  }
0xc: {  	s6 =	ssub.s32 $0x2, s6;
	[dreg:$0xf] =	wrdreg s31;
	s18 =	simm.s32 $0x7900  }
0xd: {  	s10 =	sor.u32 s9, s8;
	s7 =	sadd.s32 s8, s7;
	[dreg:$0x8] =	wrdreg s19  }
0xe: {  	s24 =	sshrl.u32 s6, $0x1;
	s8 =	simm.s32 $0x2900;
	s11 =	smul.u32 $0x90, s10  }
0xf: {  	s9 =	simm.s32 $0x3100;
	s19 =	simm.s32 $0x8100;
	s20 =	smul.u32 $0x1200, s10  }
0x10: {  	s21 =	sadd.s32 $0x800, s7;
	s26 =	ssub.s32 s6, s24;
	s6 =	simm.s32 $0x80  }
0x11: {  	s7 =	simm.s32 $0x100;
	s10 =	simm.s32 $0x3900;
	s24 =	simm.s32 $0x1  }
0x12: {  	[dreg:$0x9] =	wrdreg s21;
	s21 =	simm.s32 $0x9180;
	s12 =	sshrl.u32 s11, $0x3  }
0x13: {  	s11 =	sadd.s32 $0x48, s11;
	s22 =	sadd.s32 s5, s20;
	s20 =	simm.s32 $0x8900  }
0x14: {  	s16 =	sadd.s32 s4, s12;
	s17 =	sshrl.u32 s11, $0x3;
	s23 =	sshll.u32 s11, $0x5  }
0x15: {  	[dreg:$0xa] =	wrdreg s22;
	s11 =	simm.s32 $0x4100;
	s12 =	simm.s32 $0x4900  }
0x16: {  	s22 =	simm.s32 $0x48;
	[dreg:$0x6] =	wrdreg s16;
	s4 =	sadd.s32 s4, s17  }
0x17: {  	v2 =	vlaneseq.u32;
	vm0 =	vmmov $0xffff;
	s25 =	sadd.s32 s5, s23;
	s5 =	simm.s32 $0x3;
	s16 =	simm.s32 $0x6900  }
0x18: {  	v3 =	vimm.f32 $1.000000000e+00;
	v4 =	vimm.f32 $0.0e+00;
	v1 =	vshrl.u32 v2, $0x3;
	s17 =	simm.s32 $0x7100;
	s23 =	simm.s32 $0x9100;
	[dreg:$0x7] =	wrdreg s4  }
0x19: {  	v0 =	vand.u32 $0x7, v2;
	v2 =	vor.u32 $0x8, v2;
	v1 =	vmul.u32 $0x8, v1;
	[dreg:$0xb] =	wrdreg s25;
	s4 =	smax.u32 s26, $0x1;
	s25 =	simm.s32 $0x2  }
.LBB2_1:
0x1a: {  	s26 =	rddreg [dreg:$0x6]  }
0x1b: {  	[tilespmem:s3], [sflag:$0x3] =	stream.linear.gather [hbm4b:s26+s3], $0x48, $0x38;
	[tilespmem:$0x9580] =	vst v63  }
0x1c: {  	_ =	swait.ge [sflag:s5], $0x48  }
0x1d: {  	[sflag:s5] =	ssyncset.done $0x0  }
0x1e: {  	s30 =	rddreg [dreg:$0x7];
	[sflag:s5] =	ssyncadd.s32 $0xFFFFFFB8  }
0x1f: {  	[tilespmem:s6], [sflag:$0x3] =	stream.linear.gather [hbm4b:s30+s3], $0x48, $0x38;
	[tilespmem:$0x9580] =	vst v63  }
0x20: {  	_ =	swait.ge [sflag:s5], $0x48  }
0x21: {  	[sflag:s5] =	ssyncset.done $0x0  }
0x22: {  	[sflag:s5] =	ssyncadd.s32 $0xFFFFFFB8  }
0x23: {  	v5 =	vld [tilespmem:$0x0];
	_ =	sdelay $0x4  }
0x24: {  	v6 =	vshll.u32 v5, $0x1  }
0x25: {  	v5 =	vand.u32 $0x7, v5;
	v6 =	vand.u32 $0xFFFFFFF0, v6  }
0x26: {  	v5 =	vor.u32 v5, v6  }
0x27: {  	v6 =	vperm.xlane v5, v0;
	_ =	sdelay $0x1  }
0x28: {  	v5 =	vperm.xlane v5, v2;
	v6 =	vadd.s32 v1, v6;
	_ =	sdelay $0x1  }
0x29: {  	v5 =	vadd.s32 v1, v5;
	_ =	sdelay $0x2  }
0x2a: {  	[tilespmem:s7], [sflag:$0x1] =	stream.indirect_vreg.gather [hbm4b:s0+s3], $0x80, v6, vm0, $0xb8;
	[tilespmem:$0x9580] =	vst v63  }
0x2b: {  	s31 =	rddreg [dreg:$0xc]  }
0x2c: {  	[tilespmem:s31], [sflag:$0x1] =	stream.indirect_vreg.gather [hbm4b:s0+s3], $0x80, v5, vm0, $0xb8;
	[tilespmem:$0x9580] =	vst v63  }
0x2d: {  	v5 =	vld [tilespmem:$0x10];
	_ =	sdelay $0x4  }
0x2e: {  	v6 =	vshll.u32 v5, $0x1  }
0x2f: {  	v5 =	vand.u32 $0x7, v5;
	v6 =	vand.u32 $0xFFFFFFF0, v6  }
0x30: {  	v5 =	vor.u32 v5, v6  }
0x31: {  	v6 =	vperm.xlane v5, v0;
	_ =	sdelay $0x1  }
0x32: {  	v5 =	vperm.xlane v5, v2;
	v6 =	vadd.s32 v1, v6;
	_ =	sdelay $0x1  }
0x33: {  	v5 =	vadd.s32 v1, v5;
	_ =	sdelay $0x1  }
0x34: {  	s1 =	rddreg [dreg:$0xd]  }
0x35: {  	[tilespmem:s1], [sflag:$0x1] =	stream.indirect_vreg.gather [hbm4b:s0+s3], $0x80, v6, vm0, $0xb8;
	[tilespmem:$0x9580] =	vst v63  }
0x36: {  	s28 =	rddreg [dreg:$0xe]  }
0x37: {  	[tilespmem:s28], [sflag:$0x1] =	stream.indirect_vreg.gather [hbm4b:s0+s3], $0x80, v5, vm0, $0xb8;
	[tilespmem:$0x9580] =	vst v63  }
0x38: {  	v5 =	vld [tilespmem:$0x20];
	_ =	sdelay $0x4  }
0x39: {  	v6 =	vshll.u32 v5, $0x1  }
0x3a: {  	v5 =	vand.u32 $0x7, v5;
	v6 =	vand.u32 $0xFFFFFFF0, v6  }
0x3b: {  	v5 =	vor.u32 v5, v6  }
0x3c: {  	v6 =	vperm.xlane v5, v0;
	_ =	sdelay $0x1  }
0x3d: {  	v5 =	vperm.xlane v5, v2;
	v6 =	vadd.s32 v1, v6;
	_ =	sdelay $0x1  }
0x3e: {  	v5 =	vadd.s32 v1, v5;
	_ =	sdelay $0x1  }
0x3f: {  	s28 =	rddreg [dreg:$0xf]  }
0x40: {  	[tilespmem:s28], [sflag:$0x1] =	stream.indirect_vreg.gather [hbm4b:s0+s3], $0x80, v6, vm0, $0xb8;
	[tilespmem:$0x9580] =	vst v63  }
0x41: {  	_ = 	snop  }
0x42: {  	[tilespmem:s8], [sflag:$0x1] =	stream.indirect_vreg.gather [hbm4b:s0+s3], $0x80, v5, vm0, $0xb8;
	[tilespmem:$0x9580] =	vst v63  }
0x43: {  	v5 =	vld [tilespmem:$0x30];
	_ =	sdelay $0x4  }
0x44: {  	v6 =	vshll.u32 v5, $0x1  }
0x45: {  	v5 =	vand.u32 $0x7, v5;
	v6 =	vand.u32 $0xFFFFFFF0, v6  }
0x46: {  	v5 =	vor.u32 v5, v6  }
0x47: {  	v6 =	vperm.xlane v5, v0;
	_ =	sdelay $0x1  }
0x48: {  	v5 =	vperm.xlane v5, v2;
	v6 =	vadd.s32 v1, v6;
	_ =	sdelay $0x1  }
0x49: {  	v5 =	vadd.s32 v1, v5;
	_ =	sdelay $0x2  }
0x4a: {  	[tilespmem:s9], [sflag:$0x1] =	stream.indirect_vreg.gather [hbm4b:s0+s3], $0x80, v6, vm0, $0xb8;
	[tilespmem:$0x9580] =	vst v63  }
0x4b: {  	_ = 	snop  }
0x4c: {  	[tilespmem:s10], [sflag:$0x1] =	stream.indirect_vreg.gather [hbm4b:s0+s3], $0x80, v5, vm0, $0xb8;
	[tilespmem:$0x9580] =	vst v63  }
0x4d: {  	v5 =	vld.msk [tilespmem:$0x40], $0xff;
	_ =	sdelay $0x4  }
0x4e: {  	v6 =	vshll.u32 v5, $0x1  }
0x4f: {  	v5 =	vand.u32 $0x7, v5;
	v6 =	vand.u32 $0xFFFFFFF0, v6  }
0x50: {  	v5 =	vor.u32 v5, v6  }
0x51: {  	v5 =	vperm.xlane v5, v0;
	_ =	sdelay $0x1  }
0x52: {  	v5 =	vadd.s32 v1, v5;
	_ =	sdelay $0x4  }
0x53: {  	[tilespmem:s11], [sflag:$0x1] =	stream.indirect_vreg.gather [hbm4b:s0+s3], $0x80, v5, vm0, $0xb8;
	[tilespmem:$0x9580] =	vst v63  }
0x54: {  	v5 =	vld [tilespmem:$0x80];
	_ =	sdelay $0x4  }
0x55: {  	v6 =	vshll.u32 v5, $0x1  }
0x56: {  	v5 =	vand.u32 $0x7, v5;
	v6 =	vand.u32 $0xFFFFFFF0, v6  }
0x57: {  	v5 =	vor.u32 v5, v6  }
0x58: {  	v6 =	vperm.xlane v5, v0;
	_ =	sdelay $0x1  }
0x59: {  	v5 =	vperm.xlane v5, v2;
	v6 =	vadd.s32 v1, v6;
	_ =	sdelay $0x1  }
0x5a: {  	v5 =	vadd.s32 v1, v5;
	_ =	sdelay $0x2  }
0x5b: {  	[tilespmem:s12], [sflag:$0x1] =	stream.indirect_vreg.gather [hbm4b:s0+s3], $0x80, v6, vm0, $0xb8;
	[tilespmem:$0x9580] =	vst v63  }
0x5c: {  	_ = 	snop  }
0x5d: {  	[tilespmem:s13], [sflag:$0x1] =	stream.indirect_vreg.gather [hbm4b:s0+s3], $0x80, v5, vm0, $0xb8;
	[tilespmem:$0x9580] =	vst v63  }
0x5e: {  	v5 =	vld [tilespmem:$0x90];
	_ =	sdelay $0x4  }
0x5f: {  	v6 =	vshll.u32 v5, $0x1  }
0x60: {  	v5 =	vand.u32 $0x7, v5;
	v6 =	vand.u32 $0xFFFFFFF0, v6  }
0x61: {  	v5 =	vor.u32 v5, v6  }
0x62: {  	v6 =	vperm.xlane v5, v0;
	_ =	sdelay $0x1  }
0x63: {  	v5 =	vperm.xlane v5, v2;
	v6 =	vadd.s32 v1, v6;
	_ =	sdelay $0x1  }
0x64: {  	v5 =	vadd.s32 v1, v5;
	_ =	sdelay $0x2  }
0x65: {  	[tilespmem:s14], [sflag:$0x1] =	stream.indirect_vreg.gather [hbm4b:s0+s3], $0x80, v6, vm0, $0xb8;
	[tilespmem:$0x9580] =	vst v63  }
0x66: {  	_ = 	snop  }
0x67: {  	[tilespmem:s15], [sflag:$0x1] =	stream.indirect_vreg.gather [hbm4b:s0+s3], $0x80, v5, vm0, $0xb8;
	[tilespmem:$0x9580] =	vst v63  }
0x68: {  	v5 =	vld [tilespmem:$0xA0];
	_ =	sdelay $0x4  }
0x69: {  	v6 =	vshll.u32 v5, $0x1  }
0x6a: {  	v5 =	vand.u32 $0x7, v5;
	v6 =	vand.u32 $0xFFFFFFF0, v6  }
0x6b: {  	v5 =	vor.u32 v5, v6  }
0x6c: {  	v6 =	vperm.xlane v5, v0;
	_ =	sdelay $0x1  }
0x6d: {  	v5 =	vperm.xlane v5, v2;
	v6 =	vadd.s32 v1, v6;
	_ =	sdelay $0x1  }
0x6e: {  	v5 =	vadd.s32 v1, v5;
	_ =	sdelay $0x2  }
0x6f: {  	[tilespmem:s16], [sflag:$0x1] =	stream.indirect_vreg.gather [hbm4b:s0+s3], $0x80, v6, vm0, $0xb8;
	[tilespmem:$0x9580] =	vst v63  }
0x70: {  	_ = 	snop  }
0x71: {  	[tilespmem:s17], [sflag:$0x1] =	stream.indirect_vreg.gather [hbm4b:s0+s3], $0x80, v5, vm0, $0xb8;
	[tilespmem:$0x9580] =	vst v63  }
0x72: {  	v5 =	vld [tilespmem:$0xB0];
	_ =	sdelay $0x4  }
0x73: {  	v6 =	vshll.u32 v5, $0x1  }
0x74: {  	v5 =	vand.u32 $0x7, v5;
	v6 =	vand.u32 $0xFFFFFFF0, v6  }
0x75: {  	v5 =	vor.u32 v5, v6  }
0x76: {  	v6 =	vperm.xlane v5, v0;
	_ =	sdelay $0x1  }
0x77: {  	v5 =	vperm.xlane v5, v2;
	v6 =	vadd.s32 v1, v6;
	_ =	sdelay $0x1  }
0x78: {  	v5 =	vadd.s32 v1, v5;
	_ =	sdelay $0x2  }
0x79: {  	[tilespmem:s18], [sflag:$0x1] =	stream.indirect_vreg.gather [hbm4b:s0+s3], $0x80, v6, vm0, $0xb8;
	[tilespmem:$0x9580] =	vst v63  }
0x7a: {  	_ = 	snop  }
0x7b: {  	[tilespmem:s19], [sflag:$0x1] =	stream.indirect_vreg.gather [hbm4b:s0+s3], $0x80, v5, vm0, $0xb8;
	[tilespmem:$0x9580] =	vst v63  }
0x7c: {  	v5 =	vld.msk [tilespmem:$0xC0], $0xff;
	_ =	sdelay $0x4  }
0x7d: {  	v6 =	vshll.u32 v5, $0x1  }
0x7e: {  	v5 =	vand.u32 $0x7, v5;
	v6 =	vand.u32 $0xFFFFFFF0, v6  }
0x7f: {  	v5 =	vor.u32 v5, v6  }
0x80: {  	v5 =	vperm.xlane v5, v0;
	_ =	sdelay $0x1  }
0x81: {  	v5 =	vadd.s32 v1, v5;
	_ =	sdelay $0x4  }
0x82: {  	[tilespmem:s20], [sflag:$0x1] =	stream.indirect_vreg.gather [hbm4b:s0+s3], $0x80, v5, vm0, $0xb8;
	[tilespmem:$0x9580] =	vst v63  }
0x83: {  	[tilespmem:$0x9100] =	vst v3  }
0x84: {  	[tilespmem:$0x9110] =	vst v3  }
0x85: {  	[tilespmem:$0x9120] =	vst v3  }
0x86: {  	[tilespmem:$0x9130] =	vst v3  }
0x87: {  	[tilespmem:$0x9140] =	vst v3  }
0x88: {  	[tilespmem:$0x9180] =	vst v4  }
0x89: {  	[tilespmem:$0x9190] =	vst v4  }
0x8a: {  	[tilespmem:$0x91A0] =	vst v4  }
0x8b: {  	[tilespmem:$0x91B0] =	vst v4  }
0x8c: {  	[tilespmem:$0x91C0] =	vst v4  }
0x8d: {  	[tilespmem:$0x91D0] =	vst v4  }
0x8e: {  	[tilespmem:$0x91E0] =	vst v4  }
0x8f: {  	[tilespmem:$0x91F0] =	vst v4  }
0x90: {  	[tilespmem:$0x9200] =	vst v4  }
0x91: {  	[tilespmem:$0x9210] =	vst v4  }
0x92: {  	[tilespmem:$0x9220] =	vst v4  }
0x93: {  	[tilespmem:$0x9230] =	vst v4  }
0x94: {  	[tilespmem:$0x9240] =	vst v4  }
0x95: {  	[tilespmem:$0x9250] =	vst v4  }
0x96: {  	[tilespmem:$0x9260] =	vst v4  }
0x97: {  	[tilespmem:$0x9270] =	vst v4  }
0x98: {  	[tilespmem:$0x9280] =	vst v4  }
0x99: {  	[tilespmem:$0x9290] =	vst v4  }
0x9a: {  	[tilespmem:$0x92A0] =	vst v4  }
0x9b: {  	[tilespmem:$0x92B0] =	vst v4  }
0x9c: {  	[tilespmem:$0x92C0] =	vst v4  }
0x9d: {  	[tilespmem:$0x92D0] =	vst v4  }
0x9e: {  	[tilespmem:$0x92E0] =	vst v4  }
0x9f: {  	[tilespmem:$0x92F0] =	vst v4  }
0xa0: {  	[tilespmem:$0x9300] =	vst v4  }
0xa1: {  	[tilespmem:$0x9310] =	vst v4  }
0xa2: {  	[tilespmem:$0x9320] =	vst v4  }
0xa3: {  	[tilespmem:$0x9330] =	vst v4  }
0xa4: {  	[tilespmem:$0x9340] =	vst v4  }
0xa5: {  	[tilespmem:$0x9350] =	vst v4  }
0xa6: {  	[tilespmem:$0x9360] =	vst v4  }
0xa7: {  	s29 =	rddreg [dreg:$0x8];
	[tilespmem:$0x9370] =	vst v4  }
0xa8: {  	[spmem:s29] =	stream.linear.scatter [tilespmem:s21], [sflag:$0x3], $0x200, $0x38;
	[tilespmem:$0x9580] =	vst v63  }
0xa9: {  	_ =	swait.ge [sflag:s5], $0x200  }
0xaa: {  	[sflag:s5] =	ssyncset.done $0x0  }
0xab: {  	[sflag:s5] =	ssyncadd.s32 $0xFFFFFE00  }
0xac: {  	[bflag:$0x0] =	sbarrier.arrive $0xFFFF  }
0xad: {  	[spmem:s2] =	stream.indirect.scatter.add.f32 [tilespmem:s23], [sflag:$0x3], $0x1, s3, s22, $0xb8;
	[tilespmem:$0x9580] =	vst v63  }
0xae: {  	_ =	swait.ge [sflag:s5], $0x48  }
0xaf: {  	[sflag:s5] =	ssyncset.done $0x0  }
0xb0: {  	[sflag:s5] =	ssyncadd.s32 $0xFFFFFFB8  }
0xb1: {  	[spmem:s2] =	stream.indirect.scatter.add.f32 [tilespmem:s23], [sflag:$0x3], $0x1, s6, s22, $0xb8;
	[tilespmem:$0x9580] =	vst v63  }
0xb2: {  	_ =	swait.ge [sflag:s5], $0x48  }
0xb3: {  	[sflag:s5] =	ssyncset.done $0x0  }
0xb4: {  	s30 =	simm.s32 @!p0 $0x20;
	[sflag:s5] =	ssyncadd.s32 $0xFFFFFFB8  }
0xb5: {  	s31 =	simm.s32 @!p0 $0x10;
	s1 =	simm.s32 @!p0 $0x1C03;
	[bflag:$0x0] =	sbarrier.arrive $0xFFFF  }
0xb6: {  	s28 =	sshrl.u32 @!p0 s2, $0x3;
	s29 =	simm.s32 @!p0 $0x1;
	s26 =	rddreg [dreg:$0x9]  }
0xb7: {  	[hbm:s26@s30], [sflag:s1] =	dma.strided @!p0 [spmem:s28@s31], $0x400, s29, $0x10   }
0xb8: {  	s1 =	simm.s32 @!p0 $0x3  }
0xb9: {  	_ =	swait.ge @!p0 [sflag:s1], $0x400  }
0xba: {  	[sflag:s1] =	ssyncset.done @!p0 $0x0  }
0xbb: {  	[sflag:s1] =	ssyncadd.s32 @!p0 $0xFFFFFC00  }
0xbc: {  	_ =	swait.ge [sflag:s24], $0x4800  }
0xbd: {  	[sflag:s24] =	ssyncset.done $0x0  }
0xbe: {  	s30 =	rddreg [dreg:$0xa];
	[sflag:s24] =	ssyncadd.s32 $0xFFFFB800  }
0xbf: {  	[hbm4b:s30+s3] =	stream.linear.scatter [tilespmem:s7], [sflag:$0x2], $0x4800, $0x38;
	[tilespmem:$0x9580] =	vst v63  }
0xc0: {  	_ =	swait.ge [sflag:s24], $0x4800  }
0xc1: {  	[sflag:s24] =	ssyncset.done $0x0  }
0xc2: {  	s4 =	sadd.s32 $0xFFFFFFFF, s4;
	s31 =	rddreg [dreg:$0xb];
	[sflag:s24] =	ssyncadd.s32 $0xFFFFB800  }
0xc3: {  	[hbm4b:s31+s3] =	stream.linear.scatter [tilespmem:s12], [sflag:$0x3], $0x4800, $0x38;
	[tilespmem:$0x9580] =	vst v63  }
0xc4: {  	p1 =	sne.s32 s4, $0x0;
	_ =	swait.ge [sflag:s5], $0x4800  }
.Ltmp0:
0xc5: {  	[sflag:s5] =	ssyncset.done $0x0;
	(pc) =	sbr.rel @p1 .LBB2_1-.Ltmp0, $4  }
0xc6: {  	[sflag:s5] =	ssyncadd.s32 $0xFFFFB800  }
0xc7: {  	_ =	swait.ge [sflag:s25], $0x4800  }
0xc8: {  	[sflag:s25] =	ssyncset.done $0x0  }
0xc9: {  	[sflag:s25] =	ssyncadd.s32 $0xFFFFB800  }
0xca: {  	_ =	sfence.sel $0x180000  }
0xcb: {  	[bflag:$0x0] =	sbarrier.arrive $0xFFFF  }
0xcc: {  	_ =	strace $0x90000047  }
0xcd: {  	[bflag:$0x2] =	sbarrier.arrive $0xFFFF  }
0xce: {  	s0 =	rddreg [dreg:$0x5]  }
0xcf: {  	s0 =	sadd.s32 @!p0 $0x100000, s0  }
0xd0: {  	[sflag:s0] =	ssyncadd.tile.s32 @!p0 $0x1;
	_ =	shalt  }
.Lfunc_end2:
_tile_overlayer_lowered:
.L_overlay_start_2:
0xd1: {  	(tag) =	ssettag $0x2  }
0xd2: {  	s0 =	rddreg [dreg:$0x0];
	s2 =	stileid.u32  }
0xd3: {  	s1 =	rddreg [dreg:$0x1];
	p0 =	sne.s32 s2, $0x0  }
0xd4: {  	s3 =	rddreg [dreg:$0x2];
	[bflag:$0x3] =	sbarrier.arrive $0xFFFF;
	s2 =	simm.s32 @!p0 $0x1C03  }
0xd5: {  	[timem:s3], [sflag:s2] =	dma.local @!p0 [hbm:s0], s1  }
0xd6: {  	s0 =	simm.s32 @!p0 $0x3  }
0xd7: {  	_ =	swait.ge @!p0 [sflag:s0], s1  }
0xd8: {  	s1 =	ssub.s32 @!p0 $0x0, s1;
	[sflag:s0] =	ssyncset.done @!p0 $0x0  }
0xd9: {  	[sflag:s0] =	ssyncadd.s32 @!p0 s1  }
0xda: {  	[bflag:$0x3] =	sbarrier.arrive $0xFFFF  }
0xdb: {  	_ =	shalt  }

</sc_bundles>
